<compile_context>
chip_gen: v7x
topology: tpu7x:2x2x1
jax: 0.10.2.dev20260603
libtpu: 0.0.44.dev20260713+nightly
codegen_flags: <defaults>
</compile_context>

<pallas_src>
import functools

import jax
import jax.numpy as jnp
from jax import lax
from jax.experimental import pallas as pl
from jax.experimental.pallas import tpu as pltpu
from jax.experimental.pallas import tpu_sc as plsc

N_KNOTS = 21
X_MIN = -5.0
X_MAX = 5.0
IN_FEATURES = 1024
DX = (X_MAX - X_MIN) / (N_KNOTS - 1)
INV_DX = 1.0 / DX

NC = 2
NS = 16
NW = NC * NS
LANES = 16

ROWS_PER_CHUNK = 16
CHUNK = ROWS_PER_CHUNK * IN_FEATURES
VREGS_PER_ROW = IN_FEATURES // LANES


def _spline_body(x_hbm, y_hbm, out_hbm, y_v, a_v, b_v, x_v, o_v,
                 sem_in0, sem_in1, sem_out0, sem_out1, sem_y, *, n_chunks):
    wid = lax.axis_index("s") * NC + lax.axis_index("c")
    base_row = wid * (n_chunks * ROWS_PER_CHUNK)
    sem_in = (sem_in0, sem_in1)
    sem_out = (sem_out0, sem_out1)

    y_copy = pltpu.async_copy(y_hbm, y_v.at[pl.ds(0, IN_FEATURES * N_KNOTS)],
                              sem_y)

    iota = lax.iota(jnp.int32, LANES)
    iota21 = iota * N_KNOTS

    def build_tables():
        @plsc.parallel_loop(0, (IN_FEATURES * N_KNOTS) // LANES, unroll=8)
        def _(v):
            n0 = v * LANES
            sl = pl.ds(n0, LANES)
            nv = iota + n0
            yl = y_v[sl]
            yr = plsc.load_gather(y_v, [nv + 1])
            k = jnp.remainder(nv, N_KNOTS)
            knot = X_MIN + DX * k.astype(jnp.float32)
            bv = jnp.where(k == N_KNOTS - 1, 0.0, (yr - yl) * INV_DX)
            a_v[sl] = yl - bv * knot
            b_v[sl] = bv

    def fire_in(b, c):
        r0 = base_row + c * ROWS_PER_CHUNK
        pltpu.async_copy(x_hbm.at[pl.ds(r0, ROWS_PER_CHUNK)],
                         x_v.at[b], sem_in[b])

    def wait_in(b):
        pltpu.make_async_copy(x_hbm.at[pl.ds(base_row, ROWS_PER_CHUNK)],
                              x_v.at[b], sem_in[b]).wait()

    def fire_out(b, c):
        r0 = base_row + c * ROWS_PER_CHUNK
        pltpu.async_copy(o_v.at[b],
                         out_hbm.at[pl.ds(r0, ROWS_PER_CHUNK)],
                         sem_out[b])

    def wait_out(b):
        pltpu.make_async_copy(o_v.at[b],
                              out_hbm.at[pl.ds(base_row, ROWS_PER_CHUNK)],
                              sem_out[b]).wait()

    def compute(b):
        @plsc.parallel_loop(0, CHUNK // LANES, unroll=12)
        def _(v):
            r = v >> 6
            j = v & (VREGS_PER_ROW - 1)
            sl = pl.ds(j * LANES, LANES)
            fb = j * (LANES * N_KNOTS)
            xv = x_v[b, r, sl]
            xc = jnp.minimum(jnp.maximum(xv, X_MIN), X_MAX)
            pos = (xc - X_MIN) * INV_DX
            flat = pos.astype(jnp.int32) + iota21
            tile = pl.ds(fb, LANES * N_KNOTS)
            av = plsc.load_gather(a_v.at[tile], [flat])
            bv = plsc.load_gather(b_v.at[tile], [flat])
            o_v[b, r, sl] = av + bv * xc

    fire_in(0, 0)
    fire_in(1, 1)
    y_copy.wait()
    build_tables()

    def pair_body(g, carry):
        for b in range(2):
            c = 2 * g + b
            wait_in(b)
            pl.when(c >= 2)(lambda: wait_out(b))
            compute(b)
            fire_out(b, c)
            pl.when(c + 2 < n_chunks)(lambda: fire_in(b, c + 2))
        return carry

    lax.fori_loop(0, n_chunks // 2, pair_body, 0)
    wait_out(0)
    wait_out(1)


def kernel(x, y):
    orig_shape = x.shape
    n = x.size
    n_rows = n // IN_FEATURES
    assert n % (NW * 2 * CHUNK) == 0
    n_chunks = n // (NW * CHUNK)

    x2 = x.reshape(n_rows, IN_FEATURES)
    mesh = plsc.VectorSubcoreMesh(core_axis_name="c", subcore_axis_name="s")
    run = pl.kernel(
        functools.partial(_spline_body, n_chunks=n_chunks),
        out_type=jax.ShapeDtypeStruct((n_rows, IN_FEATURES), jnp.float32),
        mesh=mesh,
        compiler_params=pltpu.CompilerParams(needs_layout_passes=False),
        scratch_types=[
            pltpu.VMEM((IN_FEATURES * N_KNOTS + LANES,), jnp.float32),
            pltpu.VMEM((IN_FEATURES * N_KNOTS,), jnp.float32),
            pltpu.VMEM((IN_FEATURES * N_KNOTS,), jnp.float32),
            pltpu.VMEM((2, ROWS_PER_CHUNK, IN_FEATURES), jnp.float32),
            pltpu.VMEM((2, ROWS_PER_CHUNK, IN_FEATURES), jnp.float32),
            pltpu.SemaphoreType.DMA,
            pltpu.SemaphoreType.DMA,
            pltpu.SemaphoreType.DMA,
            pltpu.SemaphoreType.DMA,
            pltpu.SemaphoreType.DMA,
        ],
    )
    out2 = run(x2, y.reshape(IN_FEATURES * N_KNOTS))
    return out2.reshape(orig_shape)

# --- scband reference (transcript-rebuilt; emitter-appended) ---
"""Pipeline reference for scband-spline-activation-46677704573501 (READ-ONLY COPY).

The authoritative reference and input builder live on the scoring server;
editing this copy changes nothing except your own understanding.
"""

import jax, jax.numpy as jnp
import numpy as np

N_KNOTS = 21
X_MIN = -5.0
X_MAX = 5.0
IN_FEATURES = 1024
DX = (X_MAX - X_MIN) / (N_KNOTS - 1)


def setup_inputs(seed: int = 0) -> dict:
    key = jax.random.key(seed)
    k1, = jax.random.split(key, 1)
    x = jax.random.normal(k1, (4, 2048, 1024), dtype=jnp.float32)
    # learned spline values, initialized to identity (y = x at knots), per channel
    xs = jnp.linspace(X_MIN, X_MAX, N_KNOTS, dtype=jnp.float32)
    y = jnp.tile(xs[None, :], (IN_FEATURES, 1))
    return {"x": x, "y": y}


def reference(x, y):
    orig_shape = x.shape
    n_feat = orig_shape[-1]
    x_flat = x.reshape(-1, n_feat)
    x_clamped = jnp.clip(x_flat, X_MIN, X_MAX)
    pos = (x_clamped - X_MIN) / DX
    idx = jnp.clip(jnp.floor(pos).astype(jnp.int32), 0, N_KNOTS - 2)
    t = jnp.clip(pos - idx.astype(jnp.float32), 0.0, 1.0)
    # per-channel gather: y_l[n, f] = y[f, idx[n, f]]
    feat_idx = jnp.arange(n_feat, dtype=jnp.int32)[None, :]
    y_l = y[feat_idx, idx]
    y_r = y[feat_idx, idx + 1]
    out_flat = (1.0 - t) * y_l + t * y_r
    return out_flat.reshape(orig_shape)

if __name__ == "__main__":
    import jax
    _d = setup_inputs()
    print(jax.jit(kernel)(*tuple(_d.values())))

</pallas_src>

<mosaic_0001>
#map = affine_map<(d0, d1) -> (0, 0)>
#map1 = affine_map<(d0, d1) -> (0)>
module attributes {stable_mosaic.version = 14 : i64} {
  func.func @_spline_body(%arg0: i32, %arg1: i32, %arg2: memref<8192x1024xf32, #tpu.memory_space<hbm>>, %arg3: memref<21504xf32, #tpu.memory_space<hbm>>, %arg4: memref<8192x1024xf32, #tpu.memory_space<hbm>>, %arg5: memref<21520xf32, #tpu.memory_space<vmem>>, %arg6: memref<21504xf32, #tpu.memory_space<vmem>>, %arg7: memref<21504xf32, #tpu.memory_space<vmem>>, %arg8: memref<2x16x1024xf32, #tpu.memory_space<vmem>>, %arg9: memref<2x16x1024xf32, #tpu.memory_space<vmem>>, %arg10: memref<!tpu.dma_semaphore, #tpu.memory_space<semaphore_mem>>, %arg11: memref<!tpu.dma_semaphore, #tpu.memory_space<semaphore_mem>>, %arg12: memref<!tpu.dma_semaphore, #tpu.memory_space<semaphore_mem>>, %arg13: memref<!tpu.dma_semaphore, #tpu.memory_space<semaphore_mem>>, %arg14: memref<!tpu.dma_semaphore, #tpu.memory_space<semaphore_mem>>) attributes {dimension_semantics = [#tpu.dimension_semantics<core_parallel>, #tpu.dimension_semantics<subcore_parallel>], iteration_bounds = array<i64: 2, 16>, scalar_prefetch = 0 : i64, scratch_operands = 10 : i64, tpu.core_type = #tpu.core_type<sc_vector_subcore>, window_params = [{transform_indices = #map}, {transform_indices = #map1}, {transform_indices = #map}]} {
    %mul3A = arith.constant 2 : i32
    %mul3A_0 = arith.muli %arg1, %mul3A : i32
    %add3A = arith.addi %mul3A_0, %arg0 : i32
    %mul3A_1 = arith.constant 256 : i32
    %mul3A_2 = arith.muli %add3A, %mul3A_1 : i32
    %dma_start3A = arith.constant 0 : i32
    %dma_start3A_3 = tpu.memref_slice %arg5[%dma_start3A] : memref<21520xf32, #tpu.memory_space<vmem>> -> memref<21504xf32, #tpu.memory_space<vmem>>
    %dma_start3A_4 = arith.constant 0 : i32
    %dma_start3A_5 = tpu.memref_slice %arg5[%dma_start3A_4] : memref<21520xf32, #tpu.memory_space<vmem>> -> memref<21504xf32, #tpu.memory_space<vmem>>
    tpu.enqueue_dma source(%arg3 : memref<21504xf32, #tpu.memory_space<hbm>>) target(%dma_start3A_5 : memref<21504xf32, #tpu.memory_space<vmem>>) target_semaphore(%arg14 : memref<!tpu.dma_semaphore, #tpu.memory_space<semaphore_mem>>)
    %iota3A = tpu.iota {dimensions = array<i32: 0>} : vector<16xi32>
    %mul3A_6 = arith.constant 21 : i32
    %mul3A_7 = vector.broadcast %mul3A_6 : i32 to vector<16xi32>
    %mul3A_8 = arith.muli %iota3A, %mul3A_7 : vector<16xi32>
    %add3A_9 = arith.constant 0 : i32
    %add3A_10 = arith.addi %mul3A_2, %add3A_9 : i32
    %dma_start3A_11 = arith.constant 0 : i32
    %dma_start3A_12 = arith.constant 0 : i32
    %dma_start3A_13 = arith.constant 0 : i32
    %dma_start3A_14 = tpu.memref_slice %arg8[%dma_start3A_11, %dma_start3A_12, %dma_start3A_13] : memref<2x16x1024xf32, #tpu.memory_space<vmem>> -> memref<1x16x1024xf32, #tpu.memory_space<vmem>>
    %dma_start3A_15 = tpu.memref_squeeze %dma_start3A_14 : memref<1x16x1024xf32, #tpu.memory_space<vmem>> -> memref<16x1024xf32, #tpu.memory_space<vmem>>
    %dma_start3A_16 = arith.constant 0 : i32
    %dma_start3A_17 = tpu.memref_slice %arg2[%add3A_10, %dma_start3A_16] : memref<8192x1024xf32, #tpu.memory_space<hbm>> -> memref<16x1024xf32, #tpu.memory_space<hbm>>
    %dma_start3A_18 = arith.constant 0 : i32
    %dma_start3A_19 = arith.constant 0 : i32
    %dma_start3A_20 = tpu.memref_slice %arg8[%dma_start3A_11, %dma_start3A_18, %dma_start3A_19] : memref<2x16x1024xf32, #tpu.memory_space<vmem>> -> memref<1x16x1024xf32, #tpu.memory_space<vmem>>
    %dma_start3A_21 = tpu.memref_squeeze %dma_start3A_20 : memref<1x16x1024xf32, #tpu.memory_space<vmem>> -> memref<16x1024xf32, #tpu.memory_space<vmem>>
    %dma_start3A_22 = arith.constant 0 : i32
    %dma_start3A_23 = tpu.memref_slice %arg2[%add3A_10, %dma_start3A_22] : memref<8192x1024xf32, #tpu.memory_space<hbm>> -> memref<16x1024xf32, #tpu.memory_space<hbm>>
    tpu.enqueue_dma source(%dma_start3A_23 : memref<16x1024xf32, #tpu.memory_space<hbm>>) target(%dma_start3A_21 : memref<16x1024xf32, #tpu.memory_space<vmem>>) target_semaphore(%arg10 : memref<!tpu.dma_semaphore, #tpu.memory_space<semaphore_mem>>)
    %add3A_24 = arith.constant 16 : i32
    %add3A_25 = arith.addi %mul3A_2, %add3A_24 : i32
    %dma_start3A_26 = arith.constant 1 : i32
    %dma_start3A_27 = arith.constant 0 : i32
    %dma_start3A_28 = arith.constant 0 : i32
    %dma_start3A_29 = tpu.memref_slice %arg8[%dma_start3A_26, %dma_start3A_27, %dma_start3A_28] : memref<2x16x1024xf32, #tpu.memory_space<vmem>> -> memref<1x16x1024xf32, #tpu.memory_space<vmem>>
    %dma_start3A_30 = tpu.memref_squeeze %dma_start3A_29 : memref<1x16x1024xf32, #tpu.memory_space<vmem>> -> memref<16x1024xf32, #tpu.memory_space<vmem>>
    %dma_start3A_31 = arith.constant 0 : i32
    %dma_start3A_32 = tpu.memref_slice %arg2[%add3A_25, %dma_start3A_31] : memref<8192x1024xf32, #tpu.memory_space<hbm>> -> memref<16x1024xf32, #tpu.memory_space<hbm>>
    %dma_start3A_33 = arith.constant 0 : i32
    %dma_start3A_34 = arith.constant 0 : i32
    %dma_start3A_35 = tpu.memref_slice %arg8[%dma_start3A_26, %dma_start3A_33, %dma_start3A_34] : memref<2x16x1024xf32, #tpu.memory_space<vmem>> -> memref<1x16x1024xf32, #tpu.memory_space<vmem>>
    %dma_start3A_36 = tpu.memref_squeeze %dma_start3A_35 : memref<1x16x1024xf32, #tpu.memory_space<vmem>> -> memref<16x1024xf32, #tpu.memory_space<vmem>>
    %dma_start3A_37 = arith.constant 0 : i32
    %dma_start3A_38 = tpu.memref_slice %arg2[%add3A_25, %dma_start3A_37] : memref<8192x1024xf32, #tpu.memory_space<hbm>> -> memref<16x1024xf32, #tpu.memory_space<hbm>>
    tpu.enqueue_dma source(%dma_start3A_38 : memref<16x1024xf32, #tpu.memory_space<hbm>>) target(%dma_start3A_36 : memref<16x1024xf32, #tpu.memory_space<vmem>>) target_semaphore(%arg11 : memref<!tpu.dma_semaphore, #tpu.memory_space<semaphore_mem>>)
    %dma_wait3A = arith.constant 0 : i32
    %dma_wait3A_39 = tpu.memref_slice %arg5[%dma_wait3A] : memref<21520xf32, #tpu.memory_space<vmem>> -> memref<21504xf32, #tpu.memory_space<vmem>>
    %dma_wait3A_40 = arith.constant 0 : i32
    %dma_wait3A_41 = tpu.memref_slice %arg5[%dma_wait3A_40] : memref<21520xf32, #tpu.memory_space<vmem>> -> memref<21504xf32, #tpu.memory_space<vmem>>
    tpu.wait_dma2 semaphore(%arg14 : memref<!tpu.dma_semaphore, #tpu.memory_space<semaphore_mem>>) src(%arg3 : memref<21504xf32, #tpu.memory_space<hbm>>) dst(%dma_wait3A_41 : memref<21504xf32, #tpu.memory_space<vmem>>)
    %parallel_loop3A = arith.constant 0 : i32
    %parallel_loop3A_42 = arith.constant 1344 : i32
    %parallel_loop3A_43 = arith.constant 1 : i32
    scf.for %parallel_loop3A_75 = %parallel_loop3A to %parallel_loop3A_42 step %parallel_loop3A_43  : i32 {
      %parallel_loop3A_76 = arith.constant 16 : i32
      %parallel_loop3A_77 = arith.muli %parallel_loop3A_75, %parallel_loop3A_76 : i32
      %parallel_loop3A_78 = vector.broadcast %parallel_loop3A_77 : i32 to vector<16xi32>
      %parallel_loop3A_79 = arith.addi %iota3A, %parallel_loop3A_78 : vector<16xi32>
      %parallel_loop3A_80 = arith.index_cast %parallel_loop3A_77 : i32 to index
      %parallel_loop3A_81 = tpu.vector_load %arg5[%parallel_loop3A_80] {strides = array<i32>} : memref<21520xf32, #tpu.memory_space<vmem>>, vector<16xf32>,
      %parallel_loop3A_82 = arith.constant 1 : i32
      %parallel_loop3A_83 = vector.broadcast %parallel_loop3A_82 : i32 to vector<16xi32>
      %parallel_loop3A_84 = arith.addi %parallel_loop3A_79, %parallel_loop3A_83 : vector<16xi32>
      %parallel_loop3A_85 = tpu.vector_load_idx %arg5[%parallel_loop3A_84] : memref<21520xf32, #tpu.memory_space<vmem>>[vector<16xi32>], vector<16xf32>,
      %parallel_loop3A_86 = arith.constant 21 : i32
      %parallel_loop3A_87 = arith.constant 0 : i32
      %parallel_loop3A_88 = arith.cmpi eq, %parallel_loop3A_86, %parallel_loop3A_87 : i32
      %parallel_loop3A_89 = arith.constant 1 : i32
      %parallel_loop3A_90 = arith.select %parallel_loop3A_88, %parallel_loop3A_89, %parallel_loop3A_86 : i32
      %parallel_loop3A_91 = vector.broadcast %parallel_loop3A_90 : i32 to vector<16xi32>
      %parallel_loop3A_92 = arith.remsi %parallel_loop3A_79, %parallel_loop3A_91 : vector<16xi32>
      %parallel_loop3A_93 = arith.constant 0 : i32
      %parallel_loop3A_94 = vector.broadcast %parallel_loop3A_93 : i32 to vector<16xi32>
      %parallel_loop3A_95 = arith.cmpi ne, %parallel_loop3A_92, %parallel_loop3A_94 : vector<16xi32>
      %parallel_loop3A_96 = arith.constant 0 : i32
      %parallel_loop3A_97 = vector.broadcast %parallel_loop3A_96 : i32 to vector<16xi32>
      %parallel_loop3A_98 = arith.cmpi slt, %parallel_loop3A_92, %parallel_loop3A_97 : vector<16xi32>
      %parallel_loop3A_99 = arith.constant 0 : i32
      %parallel_loop3A_100 = arith.cmpi slt, %parallel_loop3A_90, %parallel_loop3A_99 : i32
      %parallel_loop3A_101 = vector.broadcast %parallel_loop3A_100 : i1 to vector<16xi1>
      %parallel_loop3A_102 = vector.broadcast %parallel_loop3A_101 : vector<16xi1> to vector<16xi1>
      %parallel_loop3A_103 = arith.xori %parallel_loop3A_98, %parallel_loop3A_102 : vector<16xi1>
      %parallel_loop3A_104 = arith.andi %parallel_loop3A_103, %parallel_loop3A_95 : vector<16xi1>
      %parallel_loop3A_105 = vector.broadcast %parallel_loop3A_90 : i32 to vector<16xi32>
      %parallel_loop3A_106 = arith.addi %parallel_loop3A_92, %parallel_loop3A_105 : vector<16xi32>
      %parallel_loop3A_107 = arith.select %parallel_loop3A_104, %parallel_loop3A_106, %parallel_loop3A_92 : vector<16xi1>, vector<16xi32>
      %parallel_loop3A_108 = arith.sitofp %parallel_loop3A_107 : vector<16xi32> to vector<16xf32>
      %parallel_loop3A_109 = arith.constant 5.000000e-01 : f32
      %parallel_loop3A_110 = vector.broadcast %parallel_loop3A_109 : f32 to vector<16xf32>
      %parallel_loop3A_111 = arith.mulf %parallel_loop3A_110, %parallel_loop3A_108 : vector<16xf32>
      %parallel_loop3A_112 = arith.constant -5.000000e+00 : f32
      %parallel_loop3A_113 = vector.broadcast %parallel_loop3A_112 : f32 to vector<16xf32>
      %parallel_loop3A_114 = arith.addf %parallel_loop3A_113, %parallel_loop3A_111 : vector<16xf32>
      %parallel_loop3A_115 = arith.constant 20 : i32
      %parallel_loop3A_116 = vector.broadcast %parallel_loop3A_115 : i32 to vector<16xi32>
      %parallel_loop3A_117 = arith.cmpi eq, %parallel_loop3A_107, %parallel_loop3A_116 : vector<16xi32>
      %parallel_loop3A_118 = arith.subf %parallel_loop3A_85, %parallel_loop3A_81 : vector<16xf32>
      %parallel_loop3A_119 = arith.constant 2.000000e+00 : f32
      %parallel_loop3A_120 = vector.broadcast %parallel_loop3A_119 : f32 to vector<16xf32>
      %parallel_loop3A_121 = arith.mulf %parallel_loop3A_118, %parallel_loop3A_120 : vector<16xf32>
      %parallel_loop3A_122 = arith.constant 0.000000e+00 : f32
      %parallel_loop3A_123 = vector.broadcast %parallel_loop3A_122 : f32 to vector<16xf32>
      %parallel_loop3A_124 = arith.select %parallel_loop3A_117, %parallel_loop3A_123, %parallel_loop3A_121 : vector<16xi1>, vector<16xf32>
      %parallel_loop3A_125 = arith.mulf %parallel_loop3A_124, %parallel_loop3A_114 : vector<16xf32>
      %parallel_loop3A_126 = arith.subf %parallel_loop3A_81, %parallel_loop3A_125 : vector<16xf32>
      %parallel_loop3A_127 = arith.index_cast %parallel_loop3A_77 : i32 to index
      %parallel_loop3A_128 = tpu.vector_load %arg6[%parallel_loop3A_127] {strides = array<i32>} : memref<21504xf32, #tpu.memory_space<vmem>>, vector<16xf32>,
      tpu.vector_store %arg6[%parallel_loop3A_127], %parallel_loop3A_126 {strides = array<i32>} : memref<21504xf32, #tpu.memory_space<vmem>>, vector<16xf32>,
      %parallel_loop3A_129 = arith.index_cast %parallel_loop3A_77 : i32 to index
      %parallel_loop3A_130 = tpu.vector_load %arg7[%parallel_loop3A_129] {strides = array<i32>} : memref<21504xf32, #tpu.memory_space<vmem>>, vector<16xf32>,
      tpu.vector_store %arg7[%parallel_loop3A_129], %parallel_loop3A_124 {strides = array<i32>} : memref<21504xf32, #tpu.memory_space<vmem>>, vector<16xf32>,
    } {sc.loop_unroll_factor = 8 : i64, sc.parallel_access}
    %scan3A = arith.constant 0 : i32
    %scan3A_44 = arith.constant 0 : i32
    %scan3A_45 = arith.constant 8 : i32
    %scan3A_46 = arith.addi %scan3A_44, %scan3A_45 : i32
    %scan3A_47 = arith.constant 1 : i32
    scf.for %scan3A_75 = %scan3A_44 to %scan3A_46 step %scan3A_47  : i32 {
      %mul3A_76 = arith.constant 2 : i32
      %mul3A_77 = arith.muli %mul3A_76, %scan3A_75 : i32
      %add3A_78 = arith.constant 0 : i32
      %add3A_79 = arith.addi %mul3A_77, %add3A_78 : i32
      %dma_wait3A_80 = arith.constant 0 : i32
      %dma_wait3A_81 = arith.constant 0 : i32
      %dma_wait3A_82 = arith.constant 0 : i32
      %dma_wait3A_83 = tpu.memref_slice %arg8[%dma_wait3A_80, %dma_wait3A_81, %dma_wait3A_82] : memref<2x16x1024xf32, #tpu.memory_space<vmem>> -> memref<1x16x1024xf32, #tpu.memory_space<vmem>>
      %dma_wait3A_84 = tpu.memref_squeeze %dma_wait3A_83 : memref<1x16x1024xf32, #tpu.memory_space<vmem>> -> memref<16x1024xf32, #tpu.memory_space<vmem>>
      %dma_wait3A_85 = arith.constant 0 : i32
      %dma_wait3A_86 = tpu.memref_slice %arg2[%mul3A_2, %dma_wait3A_85] : memref<8192x1024xf32, #tpu.memory_space<hbm>> -> memref<16x1024xf32, #tpu.memory_space<hbm>>
      %dma_wait3A_87 = arith.constant 0 : i32
      %dma_wait3A_88 = arith.constant 0 : i32
      %dma_wait3A_89 = tpu.memref_slice %arg8[%dma_wait3A_80, %dma_wait3A_87, %dma_wait3A_88] : memref<2x16x1024xf32, #tpu.memory_space<vmem>> -> memref<1x16x1024xf32, #tpu.memory_space<vmem>>
      %dma_wait3A_90 = tpu.memref_squeeze %dma_wait3A_89 : memref<1x16x1024xf32, #tpu.memory_space<vmem>> -> memref<16x1024xf32, #tpu.memory_space<vmem>>
      %dma_wait3A_91 = arith.constant 0 : i32
      %dma_wait3A_92 = tpu.memref_slice %arg2[%mul3A_2, %dma_wait3A_91] : memref<8192x1024xf32, #tpu.memory_space<hbm>> -> memref<16x1024xf32, #tpu.memory_space<hbm>>
      tpu.wait_dma2 semaphore(%arg10 : memref<!tpu.dma_semaphore, #tpu.memory_space<semaphore_mem>>) src(%dma_wait3A_92 : memref<16x1024xf32, #tpu.memory_space<hbm>>) dst(%dma_wait3A_90 : memref<16x1024xf32, #tpu.memory_space<vmem>>)
      %ge3A = arith.constant 2 : i32
      %ge3A_93 = arith.cmpi sge, %add3A_79, %ge3A : i32
      %convert_element_type3A = arith.extui %ge3A_93 : i1 to i32
      %cond3A = arith.constant 0 : i32
      %cond3A_94 = arith.cmpi ne, %convert_element_type3A, %cond3A : i32
      scf.if %cond3A_94 {
        %dma_wait3A_168 = arith.constant 0 : i32
        %dma_wait3A_169 = arith.constant 0 : i32
        %dma_wait3A_170 = arith.constant 0 : i32
        %dma_wait3A_171 = tpu.memref_slice %arg9[%dma_wait3A_168, %dma_wait3A_169, %dma_wait3A_170] : memref<2x16x1024xf32, #tpu.memory_space<vmem>> -> memref<1x16x1024xf32, #tpu.memory_space<vmem>>
        %dma_wait3A_172 = tpu.memref_squeeze %dma_wait3A_171 : memref<1x16x1024xf32, #tpu.memory_space<vmem>> -> memref<16x1024xf32, #tpu.memory_space<vmem>>
        %dma_wait3A_173 = arith.constant 0 : i32
        %dma_wait3A_174 = tpu.memref_slice %arg4[%mul3A_2, %dma_wait3A_173] : memref<8192x1024xf32, #tpu.memory_space<hbm>> -> memref<16x1024xf32, #tpu.memory_space<hbm>>
        %dma_wait3A_175 = arith.constant 0 : i32
        %dma_wait3A_176 = tpu.memref_slice %arg4[%mul3A_2, %dma_wait3A_175] : memref<8192x1024xf32, #tpu.memory_space<hbm>> -> memref<16x1024xf32, #tpu.memory_space<hbm>>
        %dma_wait3A_177 = arith.constant 0 : i32
        %dma_wait3A_178 = arith.constant 0 : i32
        %dma_wait3A_179 = tpu.memref_slice %arg9[%dma_wait3A_168, %dma_wait3A_177, %dma_wait3A_178] : memref<2x16x1024xf32, #tpu.memory_space<vmem>> -> memref<1x16x1024xf32, #tpu.memory_space<vmem>>
        %dma_wait3A_180 = tpu.memref_squeeze %dma_wait3A_179 : memref<1x16x1024xf32, #tpu.memory_space<vmem>> -> memref<16x1024xf32, #tpu.memory_space<vmem>>
        tpu.wait_dma2 semaphore(%arg12 : memref<!tpu.dma_semaphore, #tpu.memory_space<semaphore_mem>>) src(%dma_wait3A_180 : memref<16x1024xf32, #tpu.memory_space<vmem>>) dst(%dma_wait3A_176 : memref<16x1024xf32, #tpu.memory_space<hbm>>)
      } else {
      }
      %parallel_loop3A_95 = arith.constant 0 : i32
      %parallel_loop3A_96 = arith.constant 1024 : i32
      %parallel_loop3A_97 = arith.constant 1 : i32
      scf.for %parallel_loop3A_168 = %parallel_loop3A_95 to %parallel_loop3A_96 step %parallel_loop3A_97  : i32 {
        %parallel_loop3A_169 = arith.constant 6 : i32
        %parallel_loop3A_170 = arith.shrsi %parallel_loop3A_168, %parallel_loop3A_169 : i32
        %parallel_loop3A_171 = arith.constant 63 : i32
        %parallel_loop3A_172 = arith.andi %parallel_loop3A_168, %parallel_loop3A_171 : i32
        %parallel_loop3A_173 = arith.constant 16 : i32
        %parallel_loop3A_174 = arith.muli %parallel_loop3A_172, %parallel_loop3A_173 : i32
        %parallel_loop3A_175 = arith.constant 336 : i32
        %parallel_loop3A_176 = arith.muli %parallel_loop3A_172, %parallel_loop3A_175 : i32
        %parallel_loop3A_177 = arith.constant 0 : i32
        %parallel_loop3A_178 = arith.index_cast %parallel_loop3A_177 : i32 to index
        %parallel_loop3A_179 = arith.index_cast %parallel_loop3A_170 : i32 to index
        %parallel_loop3A_180 = arith.index_cast %parallel_loop3A_174 : i32 to index
        %parallel_loop3A_181 = tpu.vector_load %arg8[%parallel_loop3A_178, %parallel_loop3A_179, %parallel_loop3A_180] {strides = array<i32>} : memref<2x16x1024xf32, #tpu.memory_space<vmem>>, vector<16xf32>,
        %parallel_loop3A_182 = arith.constant -5.000000e+00 : f32
        %parallel_loop3A_183 = vector.broadcast %parallel_loop3A_182 : f32 to vector<16xf32>
        %parallel_loop3A_184 = arith.maximumf %parallel_loop3A_181, %parallel_loop3A_183 : vector<16xf32>
        %parallel_loop3A_185 = arith.constant 5.000000e+00 : f32
        %parallel_loop3A_186 = vector.broadcast %parallel_loop3A_185 : f32 to vector<16xf32>
        %parallel_loop3A_187 = arith.minimumf %parallel_loop3A_184, %parallel_loop3A_186 : vector<16xf32>
        %parallel_loop3A_188 = arith.constant -5.000000e+00 : f32
        %parallel_loop3A_189 = vector.broadcast %parallel_loop3A_188 : f32 to vector<16xf32>
        %parallel_loop3A_190 = arith.subf %parallel_loop3A_187, %parallel_loop3A_189 : vector<16xf32>
        %parallel_loop3A_191 = arith.constant 2.000000e+00 : f32
        %parallel_loop3A_192 = vector.broadcast %parallel_loop3A_191 : f32 to vector<16xf32>
        %parallel_loop3A_193 = arith.mulf %parallel_loop3A_190, %parallel_loop3A_192 : vector<16xf32>
        %parallel_loop3A_194 = arith.fptosi %parallel_loop3A_193 : vector<16xf32> to vector<16xi32>
        %parallel_loop3A_195 = arith.addi %parallel_loop3A_194, %mul3A_8 : vector<16xi32>
        %parallel_loop3A_196 = tpu.memref_slice %arg6[%parallel_loop3A_176] : memref<21504xf32, #tpu.memory_space<vmem>> -> memref<336xf32, #tpu.memory_space<vmem>>
        %parallel_loop3A_197 = tpu.vector_load_idx %parallel_loop3A_196[%parallel_loop3A_195] : memref<336xf32, #tpu.memory_space<vmem>>[vector<16xi32>], vector<16xf32>,
        %parallel_loop3A_198 = tpu.memref_slice %arg7[%parallel_loop3A_176] : memref<21504xf32, #tpu.memory_space<vmem>> -> memref<336xf32, #tpu.memory_space<vmem>>
        %parallel_loop3A_199 = tpu.vector_load_idx %parallel_loop3A_198[%parallel_loop3A_195] : memref<336xf32, #tpu.memory_space<vmem>>[vector<16xi32>], vector<16xf32>,
        %parallel_loop3A_200 = arith.mulf %parallel_loop3A_199, %parallel_loop3A_187 : vector<16xf32>
        %parallel_loop3A_201 = arith.addf %parallel_loop3A_197, %parallel_loop3A_200 : vector<16xf32>
        %parallel_loop3A_202 = arith.constant 0 : i32
        %parallel_loop3A_203 = arith.index_cast %parallel_loop3A_202 : i32 to index
        %parallel_loop3A_204 = arith.index_cast %parallel_loop3A_170 : i32 to index
        %parallel_loop3A_205 = arith.index_cast %parallel_loop3A_174 : i32 to index
        %parallel_loop3A_206 = tpu.vector_load %arg9[%parallel_loop3A_203, %parallel_loop3A_204, %parallel_loop3A_205] {strides = array<i32>} : memref<2x16x1024xf32, #tpu.memory_space<vmem>>, vector<16xf32>,
        tpu.vector_store %arg9[%parallel_loop3A_203, %parallel_loop3A_204, %parallel_loop3A_205], %parallel_loop3A_201 {strides = array<i32>} : memref<2x16x1024xf32, #tpu.memory_space<vmem>>, vector<16xf32>,
      } {sc.loop_unroll_factor = 12 : i64, sc.parallel_access}
      %mul3A_98 = arith.constant 16 : i32
      %mul3A_99 = arith.muli %add3A_79, %mul3A_98 : i32
      %add3A_100 = arith.addi %mul3A_2, %mul3A_99 : i32
      %dma_start3A_101 = arith.constant 0 : i32
      %dma_start3A_102 = arith.constant 0 : i32
      %dma_start3A_103 = arith.constant 0 : i32
      %dma_start3A_104 = tpu.memref_slice %arg9[%dma_start3A_101, %dma_start3A_102, %dma_start3A_103] : memref<2x16x1024xf32, #tpu.memory_space<vmem>> -> memref<1x16x1024xf32, #tpu.memory_space<vmem>>
      %dma_start3A_105 = tpu.memref_squeeze %dma_start3A_104 : memref<1x16x1024xf32, #tpu.memory_space<vmem>> -> memref<16x1024xf32, #tpu.memory_space<vmem>>
      %dma_start3A_106 = arith.constant 0 : i32
      %dma_start3A_107 = tpu.memref_slice %arg4[%add3A_100, %dma_start3A_106] : memref<8192x1024xf32, #tpu.memory_space<hbm>> -> memref<16x1024xf32, #tpu.memory_space<hbm>>
      %dma_start3A_108 = arith.constant 0 : i32
      %dma_start3A_109 = tpu.memref_slice %arg4[%add3A_100, %dma_start3A_108] : memref<8192x1024xf32, #tpu.memory_space<hbm>> -> memref<16x1024xf32, #tpu.memory_space<hbm>>
      %dma_start3A_110 = arith.constant 0 : i32
      %dma_start3A_111 = arith.constant 0 : i32
      %dma_start3A_112 = tpu.memref_slice %arg9[%dma_start3A_101, %dma_start3A_110, %dma_start3A_111] : memref<2x16x1024xf32, #tpu.memory_space<vmem>> -> memref<1x16x1024xf32, #tpu.memory_space<vmem>>
      %dma_start3A_113 = tpu.memref_squeeze %dma_start3A_112 : memref<1x16x1024xf32, #tpu.memory_space<vmem>> -> memref<16x1024xf32, #tpu.memory_space<vmem>>
      tpu.enqueue_dma source(%dma_start3A_113 : memref<16x1024xf32, #tpu.memory_space<vmem>>) target(%dma_start3A_109 : memref<16x1024xf32, #tpu.memory_space<hbm>>) target_semaphore(%arg12 : memref<!tpu.dma_semaphore, #tpu.memory_space<semaphore_mem>>)
      %add3A_114 = arith.constant 2 : i32
      %add3A_115 = arith.addi %add3A_79, %add3A_114 : i32
      %lt3A = arith.constant 16 : i32
      %lt3A_116 = arith.cmpi slt, %add3A_115, %lt3A : i32
      %convert_element_type3A_117 = arith.extui %lt3A_116 : i1 to i32
      %cond3A_118 = arith.constant 0 : i32
      %cond3A_119 = arith.cmpi ne, %convert_element_type3A_117, %cond3A_118 : i32
      scf.if %cond3A_119 {
        %add3A_168 = arith.constant 2 : i32
        %add3A_169 = arith.addi %add3A_79, %add3A_168 : i32
        %mul3A_170 = arith.constant 16 : i32
        %mul3A_171 = arith.muli %add3A_169, %mul3A_170 : i32
        %add3A_172 = arith.addi %mul3A_2, %mul3A_171 : i32
        %dma_start3A_173 = arith.constant 0 : i32
        %dma_start3A_174 = arith.constant 0 : i32
        %dma_start3A_175 = arith.constant 0 : i32
        %dma_start3A_176 = tpu.memref_slice %arg8[%dma_start3A_173, %dma_start3A_174, %dma_start3A_175] : memref<2x16x1024xf32, #tpu.memory_space<vmem>> -> memref<1x16x1024xf32, #tpu.memory_space<vmem>>
        %dma_start3A_177 = tpu.memref_squeeze %dma_start3A_176 : memref<1x16x1024xf32, #tpu.memory_space<vmem>> -> memref<16x1024xf32, #tpu.memory_space<vmem>>
        %dma_start3A_178 = arith.constant 0 : i32
        %dma_start3A_179 = tpu.memref_slice %arg2[%add3A_172, %dma_start3A_178] : memref<8192x1024xf32, #tpu.memory_space<hbm>> -> memref<16x1024xf32, #tpu.memory_space<hbm>>
        %dma_start3A_180 = arith.constant 0 : i32
        %dma_start3A_181 = arith.constant 0 : i32
        %dma_start3A_182 = tpu.memref_slice %arg8[%dma_start3A_173, %dma_start3A_180, %dma_start3A_181] : memref<2x16x1024xf32, #tpu.memory_space<vmem>> -> memref<1x16x1024xf32, #tpu.memory_space<vmem>>
        %dma_start3A_183 = tpu.memref_squeeze %dma_start3A_182 : memref<1x16x1024xf32, #tpu.memory_space<vmem>> -> memref<16x1024xf32, #tpu.memory_space<vmem>>
        %dma_start3A_184 = arith.constant 0 : i32
        %dma_start3A_185 = tpu.memref_slice %arg2[%add3A_172, %dma_start3A_184] : memref<8192x1024xf32, #tpu.memory_space<hbm>> -> memref<16x1024xf32, #tpu.memory_space<hbm>>
        tpu.enqueue_dma source(%dma_start3A_185 : memref<16x1024xf32, #tpu.memory_space<hbm>>) target(%dma_start3A_183 : memref<16x1024xf32, #tpu.memory_space<vmem>>) target_semaphore(%arg10 : memref<!tpu.dma_semaphore, #tpu.memory_space<semaphore_mem>>)
      } else {
      }
      %mul3A_120 = arith.constant 2 : i32
      %mul3A_121 = arith.muli %mul3A_120, %scan3A_75 : i32
      %add3A_122 = arith.constant 1 : i32
      %add3A_123 = arith.addi %mul3A_121, %add3A_122 : i32
      %dma_wait3A_124 = arith.constant 1 : i32
      %dma_wait3A_125 = arith.constant 0 : i32
      %dma_wait3A_126 = arith.constant 0 : i32
      %dma_wait3A_127 = tpu.memref_slice %arg8[%dma_wait3A_124, %dma_wait3A_125, %dma_wait3A_126] : memref<2x16x1024xf32, #tpu.memory_space<vmem>> -> memref<1x16x1024xf32, #tpu.memory_space<vmem>>
      %dma_wait3A_128 = tpu.memref_squeeze %dma_wait3A_127 : memref<1x16x1024xf32, #tpu.memory_space<vmem>> -> memref<16x1024xf32, #tpu.memory_space<vmem>>
      %dma_wait3A_129 = arith.constant 0 : i32
      %dma_wait3A_130 = tpu.memref_slice %arg2[%mul3A_2, %dma_wait3A_129] : memref<8192x1024xf32, #tpu.memory_space<hbm>> -> memref<16x1024xf32, #tpu.memory_space<hbm>>
      %dma_wait3A_131 = arith.constant 0 : i32
      %dma_wait3A_132 = arith.constant 0 : i32
      %dma_wait3A_133 = tpu.memref_slice %arg8[%dma_wait3A_124, %dma_wait3A_131, %dma_wait3A_132] : memref<2x16x1024xf32, #tpu.memory_space<vmem>> -> memref<1x16x1024xf32, #tpu.memory_space<vmem>>
      %dma_wait3A_134 = tpu.memref_squeeze %dma_wait3A_133 : memref<1x16x1024xf32, #tpu.memory_space<vmem>> -> memref<16x1024xf32, #tpu.memory_space<vmem>>
      %dma_wait3A_135 = arith.constant 0 : i32
      %dma_wait3A_136 = tpu.memref_slice %arg2[%mul3A_2, %dma_wait3A_135] : memref<8192x1024xf32, #tpu.memory_space<hbm>> -> memref<16x1024xf32, #tpu.memory_space<hbm>>
      tpu.wait_dma2 semaphore(%arg11 : memref<!tpu.dma_semaphore, #tpu.memory_space<semaphore_mem>>) src(%dma_wait3A_136 : memref<16x1024xf32, #tpu.memory_space<hbm>>) dst(%dma_wait3A_134 : memref<16x1024xf32, #tpu.memory_space<vmem>>)
      %ge3A_137 = arith.constant 2 : i32
      %ge3A_138 = arith.cmpi sge, %add3A_123, %ge3A_137 : i32
      %convert_element_type3A_139 = arith.extui %ge3A_138 : i1 to i32
      %cond3A_140 = arith.constant 0 : i32
      %cond3A_141 = arith.cmpi ne, %convert_element_type3A_139, %cond3A_140 : i32
      scf.if %cond3A_141 {
        %dma_wait3A_168 = arith.constant 1 : i32
        %dma_wait3A_169 = arith.constant 0 : i32
        %dma_wait3A_170 = arith.constant 0 : i32
        %dma_wait3A_171 = tpu.memref_slice %arg9[%dma_wait3A_168, %dma_wait3A_169, %dma_wait3A_170] : memref<2x16x1024xf32, #tpu.memory_space<vmem>> -> memref<1x16x1024xf32, #tpu.memory_space<vmem>>
        %dma_wait3A_172 = tpu.memref_squeeze %dma_wait3A_171 : memref<1x16x1024xf32, #tpu.memory_space<vmem>> -> memref<16x1024xf32, #tpu.memory_space<vmem>>
        %dma_wait3A_173 = arith.constant 0 : i32
        %dma_wait3A_174 = tpu.memref_slice %arg4[%mul3A_2, %dma_wait3A_173] : memref<8192x1024xf32, #tpu.memory_space<hbm>> -> memref<16x1024xf32, #tpu.memory_space<hbm>>
        %dma_wait3A_175 = arith.constant 0 : i32
        %dma_wait3A_176 = tpu.memref_slice %arg4[%mul3A_2, %dma_wait3A_175] : memref<8192x1024xf32, #tpu.memory_space<hbm>> -> memref<16x1024xf32, #tpu.memory_space<hbm>>
        %dma_wait3A_177 = arith.constant 0 : i32
        %dma_wait3A_178 = arith.constant 0 : i32
        %dma_wait3A_179 = tpu.memref_slice %arg9[%dma_wait3A_168, %dma_wait3A_177, %dma_wait3A_178] : memref<2x16x1024xf32, #tpu.memory_space<vmem>> -> memref<1x16x1024xf32, #tpu.memory_space<vmem>>
        %dma_wait3A_180 = tpu.memref_squeeze %dma_wait3A_179 : memref<1x16x1024xf32, #tpu.memory_space<vmem>> -> memref<16x1024xf32, #tpu.memory_space<vmem>>
        tpu.wait_dma2 semaphore(%arg13 : memref<!tpu.dma_semaphore, #tpu.memory_space<semaphore_mem>>) src(%dma_wait3A_180 : memref<16x1024xf32, #tpu.memory_space<vmem>>) dst(%dma_wait3A_176 : memref<16x1024xf32, #tpu.memory_space<hbm>>)
      } else {
      }
      %parallel_loop3A_142 = arith.constant 0 : i32
      %parallel_loop3A_143 = arith.constant 1024 : i32
      %parallel_loop3A_144 = arith.constant 1 : i32
      scf.for %parallel_loop3A_168 = %parallel_loop3A_142 to %parallel_loop3A_143 step %parallel_loop3A_144  : i32 {
        %parallel_loop3A_169 = arith.constant 6 : i32
        %parallel_loop3A_170 = arith.shrsi %parallel_loop3A_168, %parallel_loop3A_169 : i32
        %parallel_loop3A_171 = arith.constant 63 : i32
        %parallel_loop3A_172 = arith.andi %parallel_loop3A_168, %parallel_loop3A_171 : i32
        %parallel_loop3A_173 = arith.constant 16 : i32
        %parallel_loop3A_174 = arith.muli %parallel_loop3A_172, %parallel_loop3A_173 : i32
        %parallel_loop3A_175 = arith.constant 336 : i32
        %parallel_loop3A_176 = arith.muli %parallel_loop3A_172, %parallel_loop3A_175 : i32
        %parallel_loop3A_177 = arith.constant 1 : i32
        %parallel_loop3A_178 = arith.index_cast %parallel_loop3A_177 : i32 to index
        %parallel_loop3A_179 = arith.index_cast %parallel_loop3A_170 : i32 to index
        %parallel_loop3A_180 = arith.index_cast %parallel_loop3A_174 : i32 to index
        %parallel_loop3A_181 = tpu.vector_load %arg8[%parallel_loop3A_178, %parallel_loop3A_179, %parallel_loop3A_180] {strides = array<i32>} : memref<2x16x1024xf32, #tpu.memory_space<vmem>>, vector<16xf32>,
        %parallel_loop3A_182 = arith.constant -5.000000e+00 : f32
        %parallel_loop3A_183 = vector.broadcast %parallel_loop3A_182 : f32 to vector<16xf32>
        %parallel_loop3A_184 = arith.maximumf %parallel_loop3A_181, %parallel_loop3A_183 : vector<16xf32>
        %parallel_loop3A_185 = arith.constant 5.000000e+00 : f32
        %parallel_loop3A_186 = vector.broadcast %parallel_loop3A_185 : f32 to vector<16xf32>
        %parallel_loop3A_187 = arith.minimumf %parallel_loop3A_184, %parallel_loop3A_186 : vector<16xf32>
        %parallel_loop3A_188 = arith.constant -5.000000e+00 : f32
        %parallel_loop3A_189 = vector.broadcast %parallel_loop3A_188 : f32 to vector<16xf32>
        %parallel_loop3A_190 = arith.subf %parallel_loop3A_187, %parallel_loop3A_189 : vector<16xf32>
        %parallel_loop3A_191 = arith.constant 2.000000e+00 : f32
        %parallel_loop3A_192 = vector.broadcast %parallel_loop3A_191 : f32 to vector<16xf32>
        %parallel_loop3A_193 = arith.mulf %parallel_loop3A_190, %parallel_loop3A_192 : vector<16xf32>
        %parallel_loop3A_194 = arith.fptosi %parallel_loop3A_193 : vector<16xf32> to vector<16xi32>
        %parallel_loop3A_195 = arith.addi %parallel_loop3A_194, %mul3A_8 : vector<16xi32>
        %parallel_loop3A_196 = tpu.memref_slice %arg6[%parallel_loop3A_176] : memref<21504xf32, #tpu.memory_space<vmem>> -> memref<336xf32, #tpu.memory_space<vmem>>
        %parallel_loop3A_197 = tpu.vector_load_idx %parallel_loop3A_196[%parallel_loop3A_195] : memref<336xf32, #tpu.memory_space<vmem>>[vector<16xi32>], vector<16xf32>,
        %parallel_loop3A_198 = tpu.memref_slice %arg7[%parallel_loop3A_176] : memref<21504xf32, #tpu.memory_space<vmem>> -> memref<336xf32, #tpu.memory_space<vmem>>
        %parallel_loop3A_199 = tpu.vector_load_idx %parallel_loop3A_198[%parallel_loop3A_195] : memref<336xf32, #tpu.memory_space<vmem>>[vector<16xi32>], vector<16xf32>,
        %parallel_loop3A_200 = arith.mulf %parallel_loop3A_199, %parallel_loop3A_187 : vector<16xf32>
        %parallel_loop3A_201 = arith.addf %parallel_loop3A_197, %parallel_loop3A_200 : vector<16xf32>
        %parallel_loop3A_202 = arith.constant 1 : i32
        %parallel_loop3A_203 = arith.index_cast %parallel_loop3A_202 : i32 to index
        %parallel_loop3A_204 = arith.index_cast %parallel_loop3A_170 : i32 to index
        %parallel_loop3A_205 = arith.index_cast %parallel_loop3A_174 : i32 to index
        %parallel_loop3A_206 = tpu.vector_load %arg9[%parallel_loop3A_203, %parallel_loop3A_204, %parallel_loop3A_205] {strides = array<i32>} : memref<2x16x1024xf32, #tpu.memory_space<vmem>>, vector<16xf32>,
        tpu.vector_store %arg9[%parallel_loop3A_203, %parallel_loop3A_204, %parallel_loop3A_205], %parallel_loop3A_201 {strides = array<i32>} : memref<2x16x1024xf32, #tpu.memory_space<vmem>>, vector<16xf32>,
      } {sc.loop_unroll_factor = 12 : i64, sc.parallel_access}
      %mul3A_145 = arith.constant 16 : i32
      %mul3A_146 = arith.muli %add3A_123, %mul3A_145 : i32
      %add3A_147 = arith.addi %mul3A_2, %mul3A_146 : i32
      %dma_start3A_148 = arith.constant 1 : i32
      %dma_start3A_149 = arith.constant 0 : i32
      %dma_start3A_150 = arith.constant 0 : i32
      %dma_start3A_151 = tpu.memref_slice %arg9[%dma_start3A_148, %dma_start3A_149, %dma_start3A_150] : memref<2x16x1024xf32, #tpu.memory_space<vmem>> -> memref<1x16x1024xf32, #tpu.memory_space<vmem>>
      %dma_start3A_152 = tpu.memref_squeeze %dma_start3A_151 : memref<1x16x1024xf32, #tpu.memory_space<vmem>> -> memref<16x1024xf32, #tpu.memory_space<vmem>>
      %dma_start3A_153 = arith.constant 0 : i32
      %dma_start3A_154 = tpu.memref_slice %arg4[%add3A_147, %dma_start3A_153] : memref<8192x1024xf32, #tpu.memory_space<hbm>> -> memref<16x1024xf32, #tpu.memory_space<hbm>>
      %dma_start3A_155 = arith.constant 0 : i32
      %dma_start3A_156 = tpu.memref_slice %arg4[%add3A_147, %dma_start3A_155] : memref<8192x1024xf32, #tpu.memory_space<hbm>> -> memref<16x1024xf32, #tpu.memory_space<hbm>>
      %dma_start3A_157 = arith.constant 0 : i32
      %dma_start3A_158 = arith.constant 0 : i32
      %dma_start3A_159 = tpu.memref_slice %arg9[%dma_start3A_148, %dma_start3A_157, %dma_start3A_158] : memref<2x16x1024xf32, #tpu.memory_space<vmem>> -> memref<1x16x1024xf32, #tpu.memory_space<vmem>>
      %dma_start3A_160 = tpu.memref_squeeze %dma_start3A_159 : memref<1x16x1024xf32, #tpu.memory_space<vmem>> -> memref<16x1024xf32, #tpu.memory_space<vmem>>
      tpu.enqueue_dma source(%dma_start3A_160 : memref<16x1024xf32, #tpu.memory_space<vmem>>) target(%dma_start3A_156 : memref<16x1024xf32, #tpu.memory_space<hbm>>) target_semaphore(%arg13 : memref<!tpu.dma_semaphore, #tpu.memory_space<semaphore_mem>>)
      %add3A_161 = arith.constant 2 : i32
      %add3A_162 = arith.addi %add3A_123, %add3A_161 : i32
      %lt3A_163 = arith.constant 16 : i32
      %lt3A_164 = arith.cmpi slt, %add3A_162, %lt3A_163 : i32
      %convert_element_type3A_165 = arith.extui %lt3A_164 : i1 to i32
      %cond3A_166 = arith.constant 0 : i32
      %cond3A_167 = arith.cmpi ne, %convert_element_type3A_165, %cond3A_166 : i32
      scf.if %cond3A_167 {
        %add3A_168 = arith.constant 2 : i32
        %add3A_169 = arith.addi %add3A_123, %add3A_168 : i32
        %mul3A_170 = arith.constant 16 : i32
        %mul3A_171 = arith.muli %add3A_169, %mul3A_170 : i32
        %add3A_172 = arith.addi %mul3A_2, %mul3A_171 : i32
        %dma_start3A_173 = arith.constant 1 : i32
        %dma_start3A_174 = arith.constant 0 : i32
        %dma_start3A_175 = arith.constant 0 : i32
        %dma_start3A_176 = tpu.memref_slice %arg8[%dma_start3A_173, %dma_start3A_174, %dma_start3A_175] : memref<2x16x1024xf32, #tpu.memory_space<vmem>> -> memref<1x16x1024xf32, #tpu.memory_space<vmem>>
        %dma_start3A_177 = tpu.memref_squeeze %dma_start3A_176 : memref<1x16x1024xf32, #tpu.memory_space<vmem>> -> memref<16x1024xf32, #tpu.memory_space<vmem>>
        %dma_start3A_178 = arith.constant 0 : i32
        %dma_start3A_179 = tpu.memref_slice %arg2[%add3A_172, %dma_start3A_178] : memref<8192x1024xf32, #tpu.memory_space<hbm>> -> memref<16x1024xf32, #tpu.memory_space<hbm>>
        %dma_start3A_180 = arith.constant 0 : i32
        %dma_start3A_181 = arith.constant 0 : i32
        %dma_start3A_182 = tpu.memref_slice %arg8[%dma_start3A_173, %dma_start3A_180, %dma_start3A_181] : memref<2x16x1024xf32, #tpu.memory_space<vmem>> -> memref<1x16x1024xf32, #tpu.memory_space<vmem>>
        %dma_start3A_183 = tpu.memref_squeeze %dma_start3A_182 : memref<1x16x1024xf32, #tpu.memory_space<vmem>> -> memref<16x1024xf32, #tpu.memory_space<vmem>>
        %dma_start3A_184 = arith.constant 0 : i32
        %dma_start3A_185 = tpu.memref_slice %arg2[%add3A_172, %dma_start3A_184] : memref<8192x1024xf32, #tpu.memory_space<hbm>> -> memref<16x1024xf32, #tpu.memory_space<hbm>>
        tpu.enqueue_dma source(%dma_start3A_185 : memref<16x1024xf32, #tpu.memory_space<hbm>>) target(%dma_start3A_183 : memref<16x1024xf32, #tpu.memory_space<vmem>>) target_semaphore(%arg11 : memref<!tpu.dma_semaphore, #tpu.memory_space<semaphore_mem>>)
      } else {
      }
    }
    %scan3A_48 = arith.constant 8 : i32
    %dma_wait3A_49 = arith.constant 0 : i32
    %dma_wait3A_50 = arith.constant 0 : i32
    %dma_wait3A_51 = arith.constant 0 : i32
    %dma_wait3A_52 = tpu.memref_slice %arg9[%dma_wait3A_49, %dma_wait3A_50, %dma_wait3A_51] : memref<2x16x1024xf32, #tpu.memory_space<vmem>> -> memref<1x16x1024xf32, #tpu.memory_space<vmem>>
    %dma_wait3A_53 = tpu.memref_squeeze %dma_wait3A_52 : memref<1x16x1024xf32, #tpu.memory_space<vmem>> -> memref<16x1024xf32, #tpu.memory_space<vmem>>
    %dma_wait3A_54 = arith.constant 0 : i32
    %dma_wait3A_55 = tpu.memref_slice %arg4[%mul3A_2, %dma_wait3A_54] : memref<8192x1024xf32, #tpu.memory_space<hbm>> -> memref<16x1024xf32, #tpu.memory_space<hbm>>
    %dma_wait3A_56 = arith.constant 0 : i32
    %dma_wait3A_57 = tpu.memref_slice %arg4[%mul3A_2, %dma_wait3A_56] : memref<8192x1024xf32, #tpu.memory_space<hbm>> -> memref<16x1024xf32, #tpu.memory_space<hbm>>
    %dma_wait3A_58 = arith.constant 0 : i32
    %dma_wait3A_59 = arith.constant 0 : i32
    %dma_wait3A_60 = tpu.memref_slice %arg9[%dma_wait3A_49, %dma_wait3A_58, %dma_wait3A_59] : memref<2x16x1024xf32, #tpu.memory_space<vmem>> -> memref<1x16x1024xf32, #tpu.memory_space<vmem>>
    %dma_wait3A_61 = tpu.memref_squeeze %dma_wait3A_60 : memref<1x16x1024xf32, #tpu.memory_space<vmem>> -> memref<16x1024xf32, #tpu.memory_space<vmem>>
    tpu.wait_dma2 semaphore(%arg12 : memref<!tpu.dma_semaphore, #tpu.memory_space<semaphore_mem>>) src(%dma_wait3A_61 : memref<16x1024xf32, #tpu.memory_space<vmem>>) dst(%dma_wait3A_57 : memref<16x1024xf32, #tpu.memory_space<hbm>>)
    %dma_wait3A_62 = arith.constant 1 : i32
    %dma_wait3A_63 = arith.constant 0 : i32
    %dma_wait3A_64 = arith.constant 0 : i32
    %dma_wait3A_65 = tpu.memref_slice %arg9[%dma_wait3A_62, %dma_wait3A_63, %dma_wait3A_64] : memref<2x16x1024xf32, #tpu.memory_space<vmem>> -> memref<1x16x1024xf32, #tpu.memory_space<vmem>>
    %dma_wait3A_66 = tpu.memref_squeeze %dma_wait3A_65 : memref<1x16x1024xf32, #tpu.memory_space<vmem>> -> memref<16x1024xf32, #tpu.memory_space<vmem>>
    %dma_wait3A_67 = arith.constant 0 : i32
    %dma_wait3A_68 = tpu.memref_slice %arg4[%mul3A_2, %dma_wait3A_67] : memref<8192x1024xf32, #tpu.memory_space<hbm>> -> memref<16x1024xf32, #tpu.memory_space<hbm>>
    %dma_wait3A_69 = arith.constant 0 : i32
    %dma_wait3A_70 = tpu.memref_slice %arg4[%mul3A_2, %dma_wait3A_69] : memref<8192x1024xf32, #tpu.memory_space<hbm>> -> memref<16x1024xf32, #tpu.memory_space<hbm>>
    %dma_wait3A_71 = arith.constant 0 : i32
    %dma_wait3A_72 = arith.constant 0 : i32
    %dma_wait3A_73 = tpu.memref_slice %arg9[%dma_wait3A_62, %dma_wait3A_71, %dma_wait3A_72] : memref<2x16x1024xf32, #tpu.memory_space<vmem>> -> memref<1x16x1024xf32, #tpu.memory_space<vmem>>
    %dma_wait3A_74 = tpu.memref_squeeze %dma_wait3A_73 : memref<1x16x1024xf32, #tpu.memory_space<vmem>> -> memref<16x1024xf32, #tpu.memory_space<vmem>>
    tpu.wait_dma2 semaphore(%arg13 : memref<!tpu.dma_semaphore, #tpu.memory_space<semaphore_mem>>) src(%dma_wait3A_74 : memref<16x1024xf32, #tpu.memory_space<vmem>>) dst(%dma_wait3A_70 : memref<16x1024xf32, #tpu.memory_space<hbm>>)
    return
  }
}

</mosaic_0001>

<sc_bundles>
// kernel: kernel.3.cloned.1.call-start
scs
__scs_entry_jumppad:
0x0: {  	(pc) =	sbr.rel $0x88, $3  }
0x1: {  	(tag) =	ssettag $0x0;
	lr =	simm.s32 $0x1  }
0x2: {  	[smem:$0x3F9F] =	sst lr;
	_ =	strace $0xD0000000  }
0x3: {  	_ = 	snop  }
0x4: {  	_ = 	snop  }
0x5: {  	_ = 	snop  }
0x6: {  	_ = 	snop  }
0x7: {  	_ = 	snop  }
__scs_overlays_trampoline_lowered:
0x8: {  	[smem:$0x3FAE] =	sst s0  }
0x9: {  	[smem:$0x3FAF] =	sst s1  }
0xa: {  	[smem:$0x3FB0] =	sst s2  }
0xb: {  	[smem:$0x3FB1] =	sst s3  }
0xc: {  	[smem:$0x3FB2] =	sst s4  }
0xd: {  	[smem:$0x3FB3] =	sst s5  }
0xe: {  	[smem:$0x3FB4] =	sst s6  }
0xf: {  	[smem:$0x3FB5] =	sst s7  }
0x10: {  	[smem:$0x3FB6] =	sst s8  }
0x11: {  	[smem:$0x3FB7] =	sst s9;
	s0 =	simm.s32 @!p0 $0x0  }
0x12: {  	s1 =	sld [smem:$0x3F9D];
	s0 =	simm.s32 @p0 $0x1  }
0x13: {  	[smem:$0x3FB8] =	sst s0;
	s0 =	simm.s32 @!p1 $0x0  }
0x14: {  	s2 =	sld [smem:$0x3F9C];
	s0 =	simm.s32 @p1 $0x1  }
0x15: {  	[smem:$0x3FB9] =	sst s0;
	s0 =	simm.s32 @!p2 $0x0  }
0x16: {  	s3 =	sld [smem:$0x3FDB];
	s0 =	simm.s32 @p2 $0x1  }
0x17: {  	s4 =	simm.s32 $0x1BF5;
	[smem:$0x3FBB] =	sst s0  }
0x18: {  	s0 =	sld [smem:$0x3F9E];
	_ =	swait.ge [sflag:s4], $0x0  }
0x19: {  	s7 =	sld [smem:$0x3F9F]  }
0x1a: {  	s8 =	sadd.s32 $0xFFFFE003, lr  }
0x1b: {  	s9 =	sadd.s32 $0xFFFFFEF7, lr;
	s5 =	simm.s32 $0xFFFFFFFF;
	p2 =	slt.u32 s8, $0xFFFFF086  }
0x1c: {  	p1 =	slt.u32 s9, $0xF7A;
	s5 =	simm.s32 @!p2 $0x0  }
0x1d: {  	s5 =	simm.s32 @p1 $0x1;
	p0 =	seq.s32 s7, s2  }
0x1e: {  	s7 =	smul.u32 @!p0 $0xF7A, s2;
	p2 =	seq.s32 @!p0 s5, $0x0  }
0x1f: {  	s9 =	smul.u32 $0xF7A, s1;
	s8 =	simm.s32 @!p0 $0x1BF5;
	p2 =	por !p2, p0  }
0x20: {  	[sflag:s8] =	ssyncset.s32 @!p0 $0xFFFFF086;
	s6 =	sadd.s32 @!p0 s3, s7;
	s7 =	simm.s32 @!p0 $0x108  }
0x21: {  	s3 =	sadd.s32 s3, s9;
	s6 =	sadd.s32 @!p0 $0x88, s6;
	s7 =	simm.s32 @p2 $0x1082  }
0x22: {  	[simem:s7], [sflag:s8] =	dma.local @!p0 [hbm:s6], $0xF7A  }
0x23: {  	s9 =	sor.u32 $0xD0000000, s2;
	s6 =	simm.s32 $0x108;
	_ =	swait.ge @!p0 [sflag:s8], $0x0  }
0x24: {  	s3 =	sadd.s32 $0x88, s3;
	s6 =	simm.s32 @!p1 $0x1082;
	[sflag:s4] =	ssyncset.s32 $0xFFFFF086  }
0x25: {  	[simem:s6], [sflag:s4] =	dma.local [hbm:s3], $0xF7A  }
0x26: {  	[smem:$0x3F9F] =	sst s1;
	(tag) =	ssettag s2;
	_ =	strace s9  }
0x27: {  	s1 =	sld [smem:$0x3FAF]  }
0x28: {  	s2 =	sld [smem:$0x3FB0]  }
0x29: {  	s4 =	sld [smem:$0x3FB2]  }
0x2a: {  	p0 =	seq.s32 s5, $0x0;
	s5 =	sld [smem:$0x3FB3]  }
0x2b: {  	s6 =	sld [smem:$0x3FB4]  }
0x2c: {  	s7 =	sld [smem:$0x3FB5]  }
0x2d: {  	s3 =	simm.s32 $0x108;
	s8 =	sld [smem:$0x3FB6]  }
0x2e: {  	s3 =	simm.s32 @!p0 $0x1082;
	s9 =	sld [smem:$0x3FB7]  }
0x2f: {  	lr =	sadd.s32 s0, s3;
	s0 =	sld [smem:$0x3FAE]  }
0x30: {  	s3 =	sld [smem:$0x3FB1]  }
0x31: {  	[smem:$0x3FBA] =	sst s10  }
0x32: {  	s10 =	sld [smem:$0x3FB8];
	_ =	sdelay $0x3  }
0x33: {  	p0 =	seq.s32 s10, $0x1;
	s10 =	sld [smem:$0x3FBA];
	_ =	sdelay $0x3  }
0x34: {  	[smem:$0x3FBA] =	sst s10  }
0x35: {  	s10 =	sld [smem:$0x3FB9];
	_ =	sdelay $0x3  }
0x36: {  	p1 =	seq.s32 s10, $0x1;
	s10 =	sld [smem:$0x3FBA];
	_ =	sdelay $0x3  }
0x37: {  	[smem:$0x3FBA] =	sst s10  }
0x38: {  	s10 =	sld [smem:$0x3FBB]  }
0x39: {  	_ = 	snop;
	(pc) =	sbr.ind lr, $3  }
0x3a: {  	_ = 	snop  }
0x3b: {  	_ = 	snop  }
0x3c: {  	p2 =	seq.s32 s10, $0x1;
	s10 =	sld [smem:$0x3FBA]  }
0x3d: {  	_ =	shalt  }
0x3e: {  	_ =	shalt  }
0x3f: {  	_ =	shalt  }
0x40: {  	_ =	shalt  }
0x41: {  	_ =	shalt  }
0x42: {  	_ =	shalt  }
0x43: {  	_ =	shalt  }
0x44: {  	_ =	shalt  }
0x45: {  	_ =	shalt  }
0x46: {  	_ =	shalt  }
0x47: {  	_ =	shalt  }
0x48: {  	_ =	shalt  }
0x49: {  	_ =	shalt  }
0x4a: {  	_ =	shalt  }
0x4b: {  	_ =	shalt  }
0x4c: {  	_ =	shalt  }
0x4d: {  	_ =	shalt  }
0x4e: {  	_ =	shalt  }
0x4f: {  	_ =	shalt  }
0x50: {  	_ =	shalt  }
0x51: {  	_ =	shalt  }
0x52: {  	_ =	shalt  }
0x53: {  	_ =	shalt  }
0x54: {  	_ =	shalt  }
0x55: {  	_ =	shalt  }
0x56: {  	_ =	shalt  }
0x57: {  	_ =	shalt  }
0x58: {  	_ =	shalt  }
0x59: {  	_ =	shalt  }
0x5a: {  	_ =	shalt  }
0x5b: {  	_ =	shalt  }
0x5c: {  	_ =	shalt  }
0x5d: {  	_ =	shalt  }
0x5e: {  	_ =	shalt  }
0x5f: {  	_ =	shalt  }
0x60: {  	_ =	shalt  }
0x61: {  	_ =	shalt  }
0x62: {  	_ =	shalt  }
0x63: {  	_ =	shalt  }
0x64: {  	_ =	shalt  }
0x65: {  	_ =	shalt  }
0x66: {  	_ =	shalt  }
0x67: {  	_ =	shalt  }
0x68: {  	_ =	shalt  }
0x69: {  	_ =	shalt  }
0x6a: {  	_ =	shalt  }
0x6b: {  	_ =	shalt  }
0x6c: {  	_ =	shalt  }
0x6d: {  	_ =	shalt  }
0x6e: {  	_ =	shalt  }
0x6f: {  	_ =	shalt  }
0x70: {  	_ =	shalt  }
0x71: {  	_ =	shalt  }
0x72: {  	_ =	shalt  }
0x73: {  	_ =	shalt  }
0x74: {  	_ =	shalt  }
0x75: {  	_ =	shalt  }
0x76: {  	_ =	shalt  }
0x77: {  	_ =	shalt  }
0x78: {  	_ =	shalt  }
0x79: {  	_ =	shalt  }
0x7a: {  	_ =	shalt  }
0x7b: {  	_ =	shalt  }
0x7c: {  	_ =	shalt  }
0x7d: {  	_ =	shalt  }
0x7e: {  	_ =	shalt  }
0x7f: {  	_ =	shalt  }
0x80: {  	_ =	shalt  }
0x81: {  	_ =	shalt  }
0x82: {  	_ =	shalt  }
0x83: {  	_ =	shalt  }
0x84: {  	_ =	shalt  }
0x85: {  	_ =	shalt  }
0x86: {  	_ =	shalt  }
0x87: {  	_ =	shalt  }
.Lfunc_end0:
.L_simem_size_0:
called_computation_lowered:
.L_overlay_start_0:
0x88: {  	s2 =	sld [smem:$0x3FD9]  }
0x89: {  	s3 =	sld [smem:$0x3FFE];
	_ =	sdelay $0x1  }
0x8a: {  	s1 =	srdreg.scid  }
0x8b: {  	s0 =	sand.u32 $0x1, s1  }
0x8c: {  	s17 =	sshll.u32 s0, $0xA;
	s2 =	sadd.s32 s3, s2  }
0x8d: {  	s2 =	sadd.s32 s2, s17  }
0x8e: {  	[smem:$0x3FC6] =	sst s2  }
0x8f: {  	_ = 	snop  }
0x90: {  	s2 =	sld [smem:$0x3FC9]  }
0x91: {  	s18 =	sld [smem:$0x3FD0];
	(tm) =	ssettm $0x1  }
0x92: {  	s4 =	sld [smem:$0x3FFB];
	_ =	sdelay $0x3  }
0x93: {  	_ =	strace s4  }
0x94: {  	s4 =	sld [smem:$0x3FFC];
	_ =	sdelay $0x3  }
0x95: {  	_ =	strace s4  }
0x96: {  	s4 =	sld [smem:$0x3FFD];
	_ =	sdelay $0x3  }
0x97: {  	_ =	strace s4  }
0x98: {  	_ =	strace $0x8FFFFFFF  }
0x99: {  	s19 =	sld [smem:$0x3FDB];
	_ =	sdelay $0x1  }
0x9a: {  	s5 =	simm.s32 $_scs_section_size  }
0x9b: {  	s6 =	simm.s32 $_size__tile_overlayer_lowered;
	s7 =	simm.s32 $_tile_overlayer_lowered  }
0x9c: {  	s22 =	simm.s32 $0x1BFF;
	s21 =	sshll.u32 s7, $0x1;
	s4 =	sadd.s32 s5, s19  }
0x9d: {  	s8 =	simm.s32 $0x0;
	s20 =	sshll.u32 s6, $0x1;
	s6 =	sadd.s32 s21, s4  }
0x9e: {  	[timem:s8], [sflag:s22] =	dma.local [hbm:s6], s20  }
0x9f: {  	_ =	swait.ge [sflag:s22], s20  }
0xa0: {  	s5 =	ssub.s32 $0x0, s20;
	[sflag:s22] =	ssyncset.done $0x0  }
0xa1: {  	[sflag:s22] =	ssyncadd.s32 s5;
	_ =	sdelay $0x1  }
0xa2: {  	s23 =	simm.s32 $0x1B8B  }
0xa3: {  	_ =	swait.ge [sflag:s23], $0x1  }
0xa4: {  	[sflag:s23] =	ssyncset.done $0x0  }
0xa5: {  	s25 =	simm.s32 $0x1B8E;
	s24 =	sld [smem:$0x3FFE];
	[sflag:s23] =	ssyncadd.s32 $0xFFFFFFFF  }
0xa6: {  	s26 =	simm.s32 $execute0_lowered;
	[smem:$0x3FD2] =	sst s25  }
0xa7: {  	s6 =	sshll.u32 s26, $0x1;
	_ =	strace $0x80000046;
	[dreg:$0x1] =	wrdreg $0xFFFFFFFF  }
0xa8: {  	s28 =	simm.s32 $_size_execute0_lowered;
	s4 =	sadd.s32 s4, s6;
	[dreg:$0x0] =	wrdreg $0x0  }
0xa9: {  	s6 =	sshll.u32 s28, $0x1;
	[dreg:$0x2] =	wrdreg s4  }
0xaa: {  	[dreg:$0x3] =	wrdreg s6  }
0xab: {  	[dreg:$0x4] =	wrdreg $0xC0  }
0xac: {  	_ =	task [dreg:s8], $0x5FFFF  }
0xad: {  	[dreg:$0x1] =	wrdreg $0xFFFFFFFF  }
0xae: {  	[dreg:$0x0] =	wrdreg $0x60  }
0xaf: {  	[dreg:$0x2] =	wrdreg s2  }
0xb0: {  	[dreg:$0x3] =	wrdreg s24  }
0xb1: {  	[dreg:$0x4] =	wrdreg s18  }
0xb2: {  	[dreg:$0x5] =	wrdreg $0x9  }
0xb3: {  	_ =	task.clear_ibuf [dreg:s8], $0x6FFFF;
	_ =	strace $0x90000046  }
0xb4: {  	s29 =	simm.s32 $0x9;
	_ =	strace $0x80000048  }
0xb5: {  	_ =	swait.ge [sflag:s29], $0x1  }
0xb6: {  	[sflag:s29] =	ssyncadd.s32 $0xFFFFFFFF  }
0xb7: {  	_ =	strace $0x90000048  }
0xb8: {  	_ =	sfence  }
0xb9: {  	s30 =	sld [smem:$0x0];
	_ =	sdelay $0x2  }
0xba: {  	s31 =	sshll.u32 s1, $0xD;
	s1 =	sshrl.u32 s1, $0x2  }
0xbb: {  	s3 =	sand.u32 $0x4000, s31;
	s1 =	sadd.s32 s1, s30  }
0xbc: {  	s0 =	sor.u32 s3, s0;
	s1 =	sshll.u32 s1, $0x11  }
0xbd: {  	s0 =	sor.u32 s1, s0  }
0xbe: {  	s0 =	sadd.s32 $0x8F2B, s0  }
0xbf: {  	[sflag:s0] =	ssyncadd.remote.s32 $0x1  }
0xc0: {  	_ =	sfence.sel $0xFFFF  }
0xc1: {  	[dreg:$0x0] =	wrdreg $0xFFFFFFFF;
	(pc) =	sbr.abs _section_cstart, $3  }
0xc2: {  	[dreg:$0x1] =	wrdreg $0xFFFFFFFF  }
0xc3: {  	_ =	task.clear_ibuf [dreg:s8], $0x2FFFF;
	_ =	strace $0x9FFFFFFF  }
0xc4: {  	(tm) =	ssettm $0x7FFFFFFF  }
0xc5: {  	_ =	shalt  }
tec
execute0_lowered:
.L_overlay_start_1:
0x0: {  	(tag) =	ssettag $0x1  }
0x1: {  	s0 =	rddreg [dreg:$0x0]  }
0x2: {  	s1 =	rddreg [dreg:$0x1];
	s3 =	srdreg.scid  }
0x3: {  	s2 =	rddreg [dreg:$0x2];
	s4 =	stileid.u32;
	s3 =	sand.u32 $0x1, s3  }
0x4: {  	s6 =	simm.s32 $0x0;
	s4 =	sshll.u32 s4, $0x10;
	s5 =	sshll.u32 s3, $0xF  }
0x5: {  	[smem:$0x7FF] =	sst s6;
	s24 =	sadd.s32 $0x400, s1;
	s4 =	sor.u32 s5, s4  }
0x6: {  	_ =	strace $0x80000047;
	[smem:$0x7F6] =	sst s24;
	s7 =	sadd.s32 s0, s4  }
0x7: {  	s3 =	ssub.s32 $0x2, s3;
	s28 =	sadd.s32 s2, s4;
	[smem:$0x7F9] =	sst s7  }
0x8: {  	s23 =	sshrl.u32 s3, $0x1;
	s26 =	sadd.s32 $0x800, s7;
	[smem:$0x7FC] =	sst s28  }
.Ltmp0:
0x9: {  	s29 =	sadd.s32 $0x1000, s7;
	[smem:$0x7F7] =	sst s26;
	(pc) =	sbr.rel .LBB2_1-.Ltmp0, $4  }
0xa: {  	s25 =	ssub.s32 s3, s23;
	s30 =	sadd.s32 $0x1800, s7;
	[smem:$0x7F8] =	sst s29  }
0xb: {  	v0 =	vlaneseq.u32;
	s0 =	smax.u32 s25, $0x1;
	[smem:$0x7FA] =	sst s30  }
0xc: {  	v1 =	vadd.s32 $0x1, v0;
	v2 =	vadd.s32 $0x21, v0;
	s31 =	sadd.s32 $0x800, s28;
	[smem:$0x7FB] =	sst s0  }
0xd: {  	v3 =	vadd.s32 $0x41, v0;
	v4 =	vadd.s32 $0x61, v0;
	v5 =	vmul.u32 $0x15, v0;
	s2 =	simm.s32 $0x0;
	[smem:$0x7FD] =	sst s31  }
.LBB2_18:
0xe: {  	s0 =	simm.s32 $0x3  }
0xf: {  	_ =	swait.ge [sflag:s0], $0x4000  }
0x10: {  	[sflag:s0] =	ssyncset.done $0x0  }
0x11: {  	s1 =	simm.s32 $0x4;
	[sflag:s0] =	ssyncadd.s32 $0xFFFFC000  }
0x12: {  	_ =	swait.ge [sflag:s1], $0x4000  }
0x13: {  	s2 =	sld [smem:$0x7F5]  }
0x14: {  	s31 =	sld [smem:$0x7FB];
	_ =	sdelay $0x1  }
0x15: {  	s2 =	sadd.s32 $0x1, s2  }
0x16: {  	p0 =	sne.s32 s2, s31  }
.Ltmp1:
0x17: {  	_ = 	snop;
	(pc) =	sbr.rel @!p0 .LBB2_19-.Ltmp1, $3  }
0x18: {  	_ =	sdelay $0x1  }
0x19: {  	[sflag:s1] =	ssyncset.done $0x0  }
0x1a: {  	[sflag:s1] =	ssyncadd.s32 $0xFFFFC000  }
.LBB2_1:
0x1b: {  	[smem:$0x7F5] =	sst s2  }
0x1c: {  	s0 =	sld [smem:$0x7F6]  }
0x1d: {  	s21 =	sld [smem:$0x7F9];
	s1 =	simm.s32 $0xFC80  }
0x1e: {  	s22 =	sld [smem:$0x7F7];
	s23 =	simm.s32 $0x13C80;
	s24 =	simm.s32 $0x70  }
0x1f: {  	[tilespmem:s6], [sflag:$0x5] =	stream.linear.gather [hbm4b:s0+s6], $0x5400, $0x38;
	[tilespmem:$0x1FC80] =	vst v63  }
0x20: {  	s25 =	simm.s32 $0x0;
	s26 =	simm.s32 $0x10;
	s5 =	simm.s32 $0x5  }
0x21: {  	v6 =	vadd.s32 s24, v1;
	v7 =	vor.u32 s25, v0;
	[tilespmem:s1], [sflag:$0x1] =	stream.linear.gather [hbm4b:s21+s6], $0x4000, $0x38;
	[tilespmem:$0x1FC80] =	vst v63  }
0x22: {  	s3 =	simm.s32 $0x20;
	s28 =	simm.s32 $0x30;
	s4 =	simm.s32 $0x50;
	v8 =	vor.u32 s25, v1;
	v12 =	vor.u32 s26, v0;
	v11 =	vadd.s32 s26, v1  }
0x23: {  	v13 =	vor.u32 s3, v0;
	v14 =	vor.u32 s28, v0;
	v16 =	vmulhi.u32 $0x86186187, v7;
	[tilespmem:s23], [sflag:$0x2] =	stream.linear.gather [hbm4b:s22+s6], $0x4000, $0x38;
	[tilespmem:$0x1FC80] =	vst v63  }
0x24: {  	s29 =	simm.s32 $0x40;
	v15 =	vadd.s32 s28, v1;
	v18 =	vor.u32 s4, v0;
	v19 =	vmulhi.u32 $0x86186187, v12;
	_ =	swait.ge [sflag:s5], $0x5400  }
0x25: {  	v17 =	vor.u32 s29, v3;
	v20 =	vor.u32 s3, v2;
	v23 =	vmulhi.u32 $0x86186187, v18;
	[sflag:s5] =	ssyncset.done $0x0  }
0x26: {  	s30 =	simm.s32 $0x40;
	v21 =	vadd.s32 s4, v1;
	v26 =	vor.u32 s29, v0;
	v25 =	vmulhi.u32 $0x86186187, v13;
	[sflag:s5] =	ssyncadd.s32 $0xFFFFAC00  }
0x27: {  	s31 =	simm.s32 $0x60;
	v30 =	vor.u32 s24, v0;
	v28 =	vmulhi.u32 $0x86186187, v26;
	v22 =	vsub.s32 v7, v16;
	v10 =	vld [tilespmem:s30+$0x30]  }
0x28: {  	v24 =	vor.u32 s31, v0;
	v46 =	vmulhi.u32 $0x86186187, v30;
	v22 =	vshrl.u32 v22, $0x1;
	v9 =	vld [tilespmem:s30+$0xFFFFFFD0]  }
0x29: {  	v27 =	vor.u32 s31, v4;
	v33 =	vmulhi.u32 $0x86186187, v14;
	v16 =	vadd.s32 v16, v22;
	v11 =	vld.idx.msk [tilespmem:v11+s6+$0x0], $0xffff  }
0x2a: {  	v29 =	vsub.s32 v18, v23;
	v44 =	vsub.s32 v13, v25;
	v16 =	vshrl.u32 v16, $0x4;
	v6 =	vld.idx.msk [tilespmem:v6+s6+$0x0], $0xffff  }
0x2b: {  	v32 =	vsub.s32 v26, v28;
	v37 =	vsub.s32 v14, v33;
	v16 =	vmul.u32 $0x15, v16;
	v17 =	vld.idx.msk [tilespmem:v17+s6+$0x0], $0xffff  }
0x2c: {  	v48 =	vsub.s32 v12, v19;
	v29 =	vshrl.u32 v29, $0x1;
	v37 =	vshrl.u32 v37, $0x1;
	v31 =	vld [tilespmem:s30+$0x0]  }
0x2d: {  	v32 =	vshrl.u32 v32, $0x1;
	v33 =	vadd.s32 v33, v37;
	v16 =	vsub.s32 v7, v16;
	v21 =	vld.idx.msk [tilespmem:v21+s6+$0x0], $0xffff  }
0x2e: {  	v33 =	vshrl.u32 v33, $0x4;
	v45 =	vld [tilespmem:s30+$0x10];
	vm0 =	veq.s32 v16, $0x14;
	v16 =	vcvt.s32.f32 v16  }
0x2f: {  	v22 =	vshrl.u32 v44, $0x1;
	v23 =	vadd.s32 v23, v29;
	v50 =	vmul.u32 $0x15, v33;
	v15 =	vld.idx.msk [tilespmem:v15+s6+$0x0], $0xffff  }
0x30: {  	v28 =	vadd.s32 v28, v32;
	v23 =	vshrl.u32 v23, $0x4;
	v47 =	vld [tilespmem:s30+$0xFFFFFFF0];
	v16 =	vmul.f32 $5.000000000e-01, v16  }
0x31: {  	v55 =	vshrl.u32 v28, $0x4;
	v23 =	vmul.u32 $0x15, v23;
	v14 =	vsub.s32 v14, v50  }
0x32: {  	vm12 =	veq.s32 v14, $0x14;
	v16 =	vadd.f32 $-5.000000000e+00, v16;
	v11 =	vsub.f32 v11, v9  }
0x33: {  	v34 =	vsub.f32 v6, v10;
	v7 =	vsub.f32 v17, v31;
	v17 =	vsub.s32 v18, v23  }
0x34: {  	v20 =	vld.idx.msk [tilespmem:v20+s6+$0x0], $0xffff;
	v18 =	vmulhi.u32 $0x86186187, v24;
	v21 =	vsub.f32 v21, v45;
	v23 =	vshrl.u32 v48, $0x1  }
0x35: {  	v6 =	vld [tilespmem:s30+$0xFFFFFFE0];
	v15 =	vsub.f32 v15, v47;
	v36 =	vcvt.s32.f32 v17;
	vm1 =	veq.s32 v17, $0x14  }
0x36: {  	v19 =	vadd.s32 v19, v23;
	v35 =	vadd.f32 v11, v11;
	v11 =	vadd.s32 v25, v22  }
0x37: {  	v49 =	vadd.f32 v7, v7;
	v7 =	vsub.s32 v30, v46;
	v21 =	vadd.f32 v21, v21  }
0x38: {  	v8 =	vld.idx.msk [tilespmem:v8+s6+$0x0], $0xffff;
	v19 =	vshrl.u32 v19, $0x4;
	v54 =	vsub.s32 v24, v18;
	v7 =	vshrl.u32 v7, $0x1  }
0x39: {  	v15 =	vadd.f32 v15, v15;
	v11 =	vshrl.u32 v11, $0x4;
	v32 =	vadd.s32 v46, v7;
	v7 =	vld [tilespmem:s30+$0xFFFFFFC0]  }
0x3a: {  	v51 =	vmul.u32 $0x15, v11;
	v32 =	vshrl.u32 v32, $0x4;
	v11 =	vsub.f32 v20, v6  }
0x3b: {  	v21 =	vsel vm1, $0x0, v21;
	v20 =	vmul.f32 $5.000000000e-01, v36;
	v17 =	vmul.u32 $0x15, v32  }
0x3c: {  	v13 =	vsub.s32 v13, v51;
	v52 =	vadd.f32 v11, v11;
	v11 =	vcvt.s32.f32 v14  }
0x3d: {  	v15 =	vsel vm12, $0x0, v15;
	v14 =	vadd.f32 $-5.000000000e+00, v20;
	v20 =	vld.idx.msk [tilespmem:v27+s6+$0x0], $0xffff;
	v59 =	vcvt.s32.f32 v13  }
0x3e: {  	v17 =	vsub.s32 v30, v17;
	v8 =	vsub.f32 v8, v7;
	v53 =	vmul.f32 $5.000000000e-01, v11;
	v11 =	vld [tilespmem:s30+$0x20]  }
0x3f: {  	vm15 =	veq.s32 v13, $0x14;
	v14 =	vmul.f32 v21, v14;
	v56 =	vcvt.s32.f32 v17  }
0x40: {  	vm13 =	veq.s32 v17, $0x14;
	v17 =	vadd.f32 v34, v34;
	v8 =	vadd.f32 v8, v8  }
0x41: {  	v27 =	vadd.f32 $-5.000000000e+00, v53;
	v29 =	vsub.f32 v45, v14;
	v14 =	vshrl.u32 v54, $0x1  }
0x42: {  	v60 =	vsel vm13, $0x0, v17;
	v14 =	vadd.s32 v18, v14;
	v18 =	vmul.u32 $0x15, v19  }
0x43: {  	v27 =	vmul.f32 v15, v27;
	v14 =	vshrl.u32 v14, $0x4;
	v19 =	vsub.f32 v20, v11  }
0x44: {  	v12 =	vsub.s32 v12, v18;
	v18 =	vmul.u32 $0x15, v55;
	v14 =	vmul.u32 $0x15, v14  }
0x45: {  	v20 =	vsub.f32 v47, v27;
	v57 =	vcvt.s32.f32 v12;
	v27 =	vmul.f32 $5.000000000e-01, v56  }
0x46: {  	vm14 =	veq.s32 v12, $0x14;
	v12 =	vsub.s32 v26, v18;
	v14 =	vsub.s32 v24, v14  }
0x47: {  	v18 =	vcvt.s32.f32 v12;
	v58 =	vadd.f32 $-5.000000000e+00, v27;
	vm2 =	veq.s32 v12, $0x14  }
0x48: {  	v12 =	vadd.f32 v19, v19;
	v19 =	vcvt.s32.f32 v14;
	v22 =	vmul.f32 $5.000000000e-01, v57  }
0x49: {  	s0 =	simm.s32 $0x54C0;
	vm3 =	veq.s32 v14, $0x14;
	v17 =	vsel vm2, $0x0, v49;
	v18 =	vmul.f32 $5.000000000e-01, v18  }
0x4a: {  	[tilespmem:s0+$0x10] =	vst v29;
	v19 =	vmul.f32 $5.000000000e-01, v19;
	v24 =	vmul.f32 v60, v58;
	v61 =	vadd.f32 $-5.000000000e+00, v22  }
0x4b: {  	s1 =	simm.s32 $0xA8C0;
	[tilespmem:s0+$0xFFFFFFF0] =	vst v20;
	v14 =	vsel vm3, $0x0, v12;
	v12 =	vadd.f32 $-5.000000000e+00, v18;
	v18 =	vsel vm14, $0x0, v35  }
0x4c: {  	[tilespmem:s1+$0xFFFFFFF0] =	vst v15;
	v19 =	vadd.f32 $-5.000000000e+00, v19;
	v62 =	vsub.f32 v10, v24;
	v15 =	vmul.f32 v18, v61  }
0x4d: {  	v63 =	vmul.f32 $5.000000000e-01, v59;
	v8 =	vsel vm0, $0x0, v8;
	[tilespmem:s1+$0x10] =	vst v21;
	v20 =	vmul.f32 v17, v12  }
0x4e: {  	s7 =	simm.s32 $0x5540;
	s3 =	simm.s32 $0x0;
	v12 =	vmul.f32 v8, v16;
	v16 =	vmul.f32 v14, v19;
	[tilespmem:s0+$0x30] =	vst v62;
	v9 =	vsub.f32 v9, v15  }
0x4f: {  	s4 =	simm.s32 $0xA940;
	s5 =	simm.s32 $0xF0;
	s6 =	simm.s32 $0xC0;
	v13 =	vsel vm15, $0x0, v52;
	v15 =	vadd.f32 $-5.000000000e+00, v63;
	[tilespmem:s1+$0x30] =	vst v60;
	v10 =	vsub.f32 v31, v20  }
.LBB2_2:
0x50: {  	s2 =	sadd.s32 $0xFFFFFF90, s5;
	s8 =	sadd.s32 $0xFFFFFFA0, s5;
	s9 =	sadd.s32 $0xFFFFFFD0, s5;
	v19 =	vadd.s32 s5, v1;
	v7 =	vsub.f32 v7, v12;
	v11 =	vsub.f32 v11, v16  }
0x51: {  	s10 =	sadd.s32 $0xFFFFFFF0, s5;
	s3 =	sadd.s32 $0x8, s3;
	v20 =	vor.u32 s2, v0;
	v21 =	vor.u32 s2, v1;
	s2 =	sadd.s32 $0xFFFFFFB0, s5;
	v16 =	vmul.f32 v13, v15;
	[tilespmem:s0+$0x0] =	vst v10  }
0x52: {  	v12 =	vor.u32 s8, v0;
	v22 =	vadd.s32 s8, v1;
	s8 =	sadd.s32 $0xFFFFFFC0, s5;
	p0 =	slt.u32 s3, $0x538;
	v15 =	vor.u32 s2, v0;
	[tilespmem:s0+$0x20] =	vst v11  }
0x53: {  	v11 =	vor.u32 s8, v0;
	v23 =	vadd.s32 s8, v1;
	s8 =	sadd.s32 $0xFFFFFFE0, s5;
	[tilespmem:s0+$0xFFFFFFD0] =	vst v9;
	v6 =	vsub.f32 v6, v16  }
0x54: {  	v25 =	vor.u32 s9, v3;
	v24 =	vmulhi.u32 $0x86186187, v20;
	v26 =	vor.u32 s8, v0;
	[tilespmem:s0+$0xFFFFFFC0] =	vst v7  }
0x55: {  	v27 =	vmulhi.u32 $0x86186187, v12;
	v28 =	vadd.s32 s8, v1;
	v7 =	vor.u32 s2, v2;
	v10 =	vld [tilespmem:s6+$0x30];
	[tilespmem:s1+$0x20] =	vst v14  }
0x56: {  	s25 =	simm.s32 $0x0;
	v29 =	vsub.s32 v20, v24;
	v30 =	vmulhi.u32 $0x86186187, v26;
	v14 =	vor.u32 s10, v0;
	v9 =	vld [tilespmem:s6+$0xFFFFFFD0];
	[tilespmem:s1+$0xFFFFFFC0] =	vst v8  }
0x57: {  	v31 =	vor.u32 s10, v4;
	v16 =	vor.u32 s9, v0;
	v8 =	vld.idx.msk [tilespmem:v22+s25+$0x0], $0xffff;
	v22 =	vmulhi.u32 $0x86186187, v15;
	[tilespmem:s1+$0xFFFFFFD0] =	vst v18  }
0x58: {  	v32 =	vsub.s32 v26, v30;
	v18 =	vshrl.u32 v29, $0x1;
	v29 =	vmulhi.u32 $0x86186187, v16;
	v19 =	vld.idx.msk [tilespmem:v19+s25+$0x0], $0xffff;
	[tilespmem:s0+$0xFFFFFFE0] =	vst v6;
	s0 =	smov.u32 s7  }
0x59: {  	v6 =	vadd.s32 v24, v18;
	v18 =	vsub.s32 v15, v22;
	v24 =	vld.idx.msk [tilespmem:v25+s25+$0x0], $0xffff;
	v25 =	vor.u32 s5, v0;
	[tilespmem:s1+$0xFFFFFFE0] =	vst v13  }
0x5a: {  	v32 =	vshrl.u32 v32, $0x1;
	v33 =	vsub.s32 v16, v29;
	v18 =	vshrl.u32 v18, $0x1;
	v13 =	vld [tilespmem:s6+$0x0];
	[tilespmem:s1+$0x0] =	vst v17;
	s1 =	smov.u32 s4  }
0x5b: {  	v30 =	vadd.s32 v30, v32;
	v6 =	vshrl.u32 v6, $0x4;
	v17 =	vshrl.u32 v33, $0x1;
	v28 =	vld.idx.msk [tilespmem:v28+s25+$0x0], $0xffff  }
0x5c: {  	v6 =	vmul.u32 $0x15, v6;
	v17 =	vadd.s32 v29, v17;
	v29 =	vshrl.u32 v30, $0x4;
	v23 =	vld.idx.msk [tilespmem:v23+s25+$0x0], $0xffff  }
0x5d: {  	v32 =	vmulhi.u32 $0x86186187, v25;
	v8 =	vsub.f32 v8, v9;
	v29 =	vmul.u32 $0x15, v29;
	v30 =	vld [tilespmem:s6+$0x10]  }
0x5e: {  	v33 =	vmulhi.u32 $0x86186187, v11;
	v20 =	vsub.s32 v20, v6;
	v19 =	vsub.f32 v19, v10  }
0x5f: {  	v34 =	vadd.f32 v8, v8;
	v8 =	vadd.s32 v22, v18;
	v18 =	vld [tilespmem:s6+$0xFFFFFFF0];
	v22 =	vsub.f32 v24, v13  }
0x60: {  	vm0 =	veq.s32 v20, $0x14;
	v24 =	vsub.s32 v26, v29;
	v26 =	vmulhi.u32 $0x86186187, v14  }
0x61: {  	v35 =	vsub.s32 v25, v32;
	v29 =	vsub.s32 v12, v27;
	v6 =	vld [tilespmem:s6+$0xFFFFFFE0];
	v22 =	vadd.f32 v22, v22  }
0x62: {  	v37 =	vcvt.s32.f32 v24;
	v36 =	vld.idx.msk [tilespmem:v7+s25+$0x0], $0xffff;
	v28 =	vsub.f32 v28, v30;
	v7 =	vshrl.u32 v35, $0x1  }
0x63: {  	v29 =	vshrl.u32 v29, $0x1;
	v35 =	vsub.s32 v11, v33;
	v21 =	vld.idx.msk [tilespmem:v21+s25+$0x0], $0xffff;
	v32 =	vadd.s32 v32, v7  }
0x64: {  	v35 =	vshrl.u32 v35, $0x1;
	v7 =	vld [tilespmem:s6+$0xFFFFFFC0];
	v23 =	vsub.f32 v23, v18;
	v32 =	vshrl.u32 v32, $0x4  }
0x65: {  	v8 =	vshrl.u32 v8, $0x4;
	v33 =	vadd.s32 v33, v35;
	v28 =	vadd.f32 v28, v28  }
0x66: {  	vm1 =	veq.s32 v24, $0x14;
	v33 =	vshrl.u32 v33, $0x4;
	v24 =	vmul.u32 $0x15, v32  }
0x67: {  	v20 =	vcvt.s32.f32 v20;
	v32 =	vmul.u32 $0x15, v33;
	v28 =	vsel vm1, $0x0, v28  }
0x68: {  	v8 =	vmul.u32 $0x15, v8;
	v35 =	vmul.f32 $5.000000000e-01, v37;
	v33 =	vsub.f32 v36, v6  }
0x69: {  	v27 =	vadd.s32 v27, v29;
	v11 =	vsub.s32 v11, v32;
	v21 =	vsub.f32 v21, v7  }
0x6a: {  	v24 =	vsub.s32 v25, v24;
	v29 =	vadd.f32 v33, v33;
	v32 =	vcvt.s32.f32 v11  }
0x6b: {  	v20 =	vmul.f32 $5.000000000e-01, v20;
	v25 =	vadd.f32 $-5.000000000e+00, v35;
	vm1 =	veq.s32 v11, $0x14;
	v31 =	vld.idx.msk [tilespmem:v31+s25+$0x0], $0xffff  }
0x6c: {  	v27 =	vshrl.u32 v27, $0x4;
	v33 =	vsub.s32 v14, v26;
	v32 =	vmul.f32 $5.000000000e-01, v32;
	v11 =	vld [tilespmem:s6+$0x20]  }
0x6d: {  	v20 =	vadd.f32 $-5.000000000e+00, v20;
	v23 =	vadd.f32 v23, v23;
	v25 =	vmul.f32 v28, v25  }
0x6e: {  	v15 =	vsub.s32 v15, v8;
	v21 =	vadd.f32 v21, v21;
	v32 =	vadd.f32 $-5.000000000e+00, v32  }
0x6f: {  	v23 =	vsel vm1, $0x0, v23;
	v25 =	vsub.f32 v30, v25;
	v30 =	vshrl.u32 v33, $0x1  }
0x70: {  	v26 =	vadd.s32 v26, v30;
	v8 =	vsel vm0, $0x0, v21;
	v21 =	vmul.f32 v23, v32  }
0x71: {  	v27 =	vmul.u32 $0x15, v27;
	[tilespmem:s7+$0x10] =	vst v25;
	v25 =	vshrl.u32 v26, $0x4;
	v26 =	vsub.f32 v31, v11  }
0x72: {  	v17 =	vshrl.u32 v17, $0x4;
	v18 =	vsub.f32 v18, v21;
	v21 =	vcvt.s32.f32 v24;
	[tilespmem:s4+$0x10] =	vst v28  }
0x73: {  	v17 =	vmul.u32 $0x15, v17;
	v12 =	vsub.s32 v12, v27;
	v25 =	vmul.u32 $0x15, v25  }
0x74: {  	v27 =	vcvt.s32.f32 v12;
	vm0 =	veq.s32 v24, $0x14;
	[tilespmem:s7+$0xFFFFFFF0] =	vst v18;
	v18 =	vmul.f32 $5.000000000e-01, v21  }
0x75: {  	vm1 =	veq.s32 v12, $0x14;
	v12 =	vsub.s32 v16, v17;
	v16 =	vadd.f32 v19, v19  }
0x76: {  	v17 =	vcvt.s32.f32 v12;
	v14 =	vsub.s32 v14, v25;
	v18 =	vadd.f32 $-5.000000000e+00, v18  }
0x77: {  	v19 =	vcvt.s32.f32 v15;
	vm2 =	veq.s32 v12, $0x14;
	v12 =	vadd.f32 v26, v26;
	[tilespmem:s4+$0xFFFFFFF0] =	vst v23  }
0x78: {  	v17 =	vmul.f32 $5.000000000e-01, v17;
	v21 =	vcvt.s32.f32 v14;
	vm3 =	veq.s32 v14, $0x14  }
0x79: {  	v24 =	vsel vm0, $0x0, v16;
	v14 =	vsel vm3, $0x0, v12;
	v23 =	vmul.f32 $5.000000000e-01, v27  }
0x7a: {  	v12 =	vadd.f32 $-5.000000000e+00, v17;
	v16 =	vmul.f32 $5.000000000e-01, v21;
	v21 =	vmul.f32 v24, v18  }
.Ltmp2:
0x7b: {  	v17 =	vsel vm2, $0x0, v22;
	v18 =	vsel vm1, $0x0, v34;
	v23 =	vadd.f32 $-5.000000000e+00, v23;
	(pc) =	sbr.rel @p0 .LBB2_2-.Ltmp2, $4  }
0x7c: {  	v22 =	vmul.f32 v17, v12;
	v16 =	vadd.f32 $-5.000000000e+00, v16;
	v21 =	vsub.f32 v10, v21  }
0x7d: {  	v19 =	vmul.f32 $5.000000000e-01, v19;
	vm0 =	veq.s32 v15, $0x14;
	v23 =	vmul.f32 v18, v23  }
0x7e: {  	s4 =	sadd.s32 $0x80, s4;
	v12 =	vmul.f32 v8, v20;
	v10 =	vsub.f32 v13, v22;
	v16 =	vmul.f32 v14, v16;
	[tilespmem:s7+$0x30] =	vst v21  }
0x7f: {  	s5 =	sadd.s32 $0x80, s5;
	s6 =	sadd.s32 $0x80, s6;
	v15 =	vadd.f32 $-5.000000000e+00, v19;
	v13 =	vsel vm0, $0x0, v29;
	v9 =	vsub.f32 v9, v23;
	s7 =	sadd.s32 $0x80, s7;
	[tilespmem:s1+$0x30] =	vst v24  }
0x80: {  	[tilespmem:s0+$0x0] =	vst v10  }
0x81: {  	v11 =	vsub.f32 v11, v16;
	[tilespmem:s0+$0xFFFFFFD0] =	vst v9  }
0x82: {  	v7 =	vsub.f32 v7, v12;
	[tilespmem:s1+$0x0] =	vst v17  }
0x83: {  	[tilespmem:s0+$0x20] =	vst v11  }
0x84: {  	v63 =	vmul.f32 v13, v15;
	[tilespmem:s0+$0xFFFFFFC0] =	vst v7  }
0x85: {  	[tilespmem:s1+$0xFFFFFFD0] =	vst v18  }
0x86: {  	[tilespmem:s1+$0x20] =	vst v14;
	v6 =	vsub.f32 v6, v63  }
0x87: {  	[tilespmem:s1+$0xFFFFFFC0] =	vst v8  }
0x88: {  	[tilespmem:s0+$0xFFFFFFE0] =	vst v6  }
0x89: {  	[tilespmem:s1+$0xFFFFFFE0] =	vst v13  }
.LBB2_4:
0x8a: {  	s0 =	simm.s32 $0x1  }
0x8b: {  	p0 =	seq.s32 s25, $0x0;
	s1 =	simm.s32 $0x580;
	s5 =	simm.s32 $0xB0  }
0x8c: {  	s22 =	simm.s32 $0x0;
	s2 =	simm.s32 $0x0;
	s24 =	simm.s32 $0x0  }
0x8d: {  	s4 =	simm.s32 $0x0;
	s30 =	simm.s32 $0x0;
	s15 =	simm.s32 $0x380  }
0x8e: {  	s12 =	simm.s32 $0x500;
	s13 =	simm.s32 $0x280;
	s16 =	simm.s32 $0x300  }
0x8f: {  	s20 =	simm.s32 $0x200;
	s17 =	simm.s32 $0x480;
	s18 =	simm.s32 $0xA0  }
0x90: {  	s19 =	simm.s32 $0x90;
	s21 =	simm.s32 $0x16;
	s23 =	simm.s32 $0x40  }
0x91: {  	_ =	swait.ge [sflag:s0], $0x4000;
	s3 =	sand.u32 $0x3C, s22;
	s6 =	sand.u32 $0x2000, s24  }
0x92: {  	s2 =	sand.u32 $0x1C00, s2;
	s4 =	sand.u32 $0x380, s4;
	s1 =	sand.u32 $0x1C00, s1  }
0x93: {  	s14 =	sand.u32 $0x1C00, s20;
	[sflag:s0] =	ssyncset.done $0x0;
	s9 =	sor.u32 $0x3, s3  }
0x94: {  	s2 =	sor.u32 s2, s6;
	[sflag:s0] =	ssyncadd.s32 $0xFFFFC000;
	s0 =	simm.s32 @!p0 $0x3  }
0x95: {  	s11 =	sshll.u32 s9, $0x4;
	s4 =	sor.u32 s4, s2;
	_ =	swait.ge @!p0 [sflag:s0], $0x4000  }
0x96: {  	s29 =	sand.u32 $0x70, s11;
	s11 =	sand.u32 $0x40, s30;
	[sflag:s0] =	ssyncset.done @!p0 $0x0  }
0x97: {  	s5 =	sand.u32 $0x70, s5;
	s2 =	sor.u32 s11, s4;
	[sflag:s0] =	ssyncadd.s32 @!p0 $0xFFFFC000  }
0x98: {  	s24 =	simm.s32 $0x70;
	s12 =	sand.u32 $0x1C00, s12;
	s20 =	simm.s32 $0x40;
	v6 =	vld [tilespmem:s2+$0xFC80]  }
0x99: {  	s17 =	sand.u32 $0x1C00, s17;
	s16 =	sand.u32 $0x1C00, s16;
	s6 =	sor.u32 s29, s4  }
0x9a: {  	s13 =	sand.u32 $0x1C00, s13;
	s19 =	sand.u32 $0x50, s19;
	s8 =	sor.u32 $0x2, s3;
	v7 =	vld [tilespmem:s6+$0xFC80]  }
0x9b: {  	s20 =	sand.u32 $0x6000, s20;
	s17 =	sor.u32 s17, s19;
	s10 =	sshll.u32 s8, $0x4  }
0x9c: {  	s8 =	smul.u32 $0x150, s8;
	s10 =	sand.u32 $0x60, s10;
	s0 =	sor.u32 $0x1, s3  }
0x9d: {  	s30 =	simm.s32 $0x70;
	s28 =	sor.u32 s10, s4;
	s7 =	sshll.u32 s0, $0x4;
	v6 =	vmax.f32 v6, $-5.000000000e+00  }
0x9e: {  	s10 =	simm.s32 $0x80;
	s11 =	simm.s32 $0xB0;
	s26 =	sand.u32 $0x50, s7;
	v6 =	vmin.f32 v6, $5.000000000e+00  }
0x9f: {  	s29 =	simm.s32 $0x8;
	s7 =	smul.u32 $0x150, s3;
	s26 =	sor.u32 s26, s4;
	v7 =	vmax.f32 v7, $-5.000000000e+00;
	v8 =	vadd.f32 $5.000000000e+00, v6  }
0xa0: {  	s4 =	smul.u32 $0x150, s9;
	s9 =	sor.u32 s1, s5;
	s5 =	sand.u32 $0x380, s21;
	v9 =	vmin.f32 v7, $5.000000000e+00;
	v7 =	vld [tilespmem:s28+$0xFC80]  }
0xa1: {  	s21 =	simm.s32 $0x60;
	s1 =	sand.u32 $0x40, s23;
	s23 =	simm.s32 $0x50;
	v10 =	vadd.f32 $5.000000000e+00, v9;
	v8 =	vadd.f32 v8, v8  }
0xa2: {  	s1 =	sor.u32 s14, s1;
	s14 =	sand.u32 $0x60, s18;
	s18 =	sand.u32 $0x380, s29  }
0xa3: {  	s29 =	simm.s32 $0x12;
	s21 =	sand.u32 $0x60, s21;
	s1 =	sor.u32 s20, s1;
	v10 =	vadd.f32 v10, v10;
	v8 =	vtrunc.f32 v8  }
0xa4: {  	s19 =	sand.u32 $0x380, s29;
	s29 =	sand.u32 $0x70, s24;
	s24 =	simm.s32 $0xA;
	v8 =	vcvt.f32.s32 v8  }
0xa5: {  	s16 =	sor.u32 s16, s21;
	s12 =	sor.u32 s12, s14;
	s31 =	sor.u32 s18, s1;
	v10 =	vtrunc.f32 v10;
	v7 =	vmax.f32 v7, $-5.000000000e+00  }
0xa6: {  	v11 =	vld [tilespmem:s26+$0xFC80];
	s1 =	sand.u32 $0x50, s23;
	s23 =	simm.s32 $0x90;
	s18 =	sand.u32 $0x6000, s30;
	v10 =	vcvt.f32.s32 v10;
	v12 =	vmin.f32 v7, $5.000000000e+00;
	v8 =	vadd.s32 v5, v8  }
0xa7: {  	s30 =	sand.u32 $0x1C00, s15;
	s13 =	sor.u32 s13, s1;
	s20 =	sand.u32 $0x6000, s23;
	v7 =	vadd.f32 $5.000000000e+00, v12  }
0xa8: {  	s30 =	sor.u32 s30, s29;
	s29 =	simm.s32 $0xE;
	s17 =	sor.u32 s20, s17;
	v10 =	vadd.s32 v5, v10  }
0xa9: {  	v13 =	vld [tilespmem:s31+$0xFC80];
	s20 =	simm.s32 $0x80;
	s18 =	sor.u32 s18, s30;
	s30 =	simm.s32 $0x60;
	v7 =	vadd.f32 v7, v7  }
0xaa: {  	s1 =	sor.u32 s19, s17;
	s17 =	simm.s32 $0xC;
	s15 =	sand.u32 $0x6000, s20  }
0xab: {  	v11 =	vmax.f32 v11, $-5.000000000e+00;
	s19 =	sand.u32 $0x380, s24;
	s21 =	sand.u32 $0x6000, s30;
	s24 =	sand.u32 $0x380, s29;
	v15 =	vtrunc.f32 v7;
	v14 =	vld.idx.msk [tilespmem:v8+s7+$0xA880], $0xffff  }
0xac: {  	s30 =	simm.s32 $0xA0;
	s17 =	sand.u32 $0x380, s17;
	s29 =	sor.u32 s21, s16;
	v7 =	vmin.f32 v11, $5.000000000e+00;
	v11 =	vcvt.f32.s32 v15;
	v8 =	vld.idx.msk [tilespmem:v8+s7+$0x5480], $0xffff  }
0xad: {  	s20 =	simm.s32 $0x50;
	s14 =	sor.u32 s17, s29;
	s17 =	sand.u32 $0x6000, s30;
	v16 =	vld.idx.msk [tilespmem:v10+s4+$0xA880], $0xffff  }
0xae: {  	v13 =	vmax.f32 v13, $-5.000000000e+00;
	v15 =	vadd.f32 $5.000000000e+00, v7;
	s7 =	sand.u32 $0x6000, s20;
	v17 =	vld.idx.msk [tilespmem:v10+s4+$0x5480], $0xffff;
	[dreg:$0x4] =	wrdreg s1;
	s20 =	simm.s32 $0x14;
	v18 =	vadd.s32 v5, v11  }
0xaf: {  	s12 =	sor.u32 s17, s12;
	v10 =	vmin.f32 v13, $5.000000000e+00;
	v13 =	vld [tilespmem:s1+$0xFC80];
	[dreg:$0x5] =	wrdreg s14;
	s16 =	sand.u32 $0x380, s20  }
0xb0: {  	s3 =	simm.s32 $0x400;
	s4 =	sor.u32 s24, s18;
	v11 =	vadd.f32 v15, v15;
	v15 =	vadd.f32 $5.000000000e+00, v10;
	v19 =	vld [tilespmem:s14+$0xFC80];
	s24 =	sor.u32 s16, s12  }
0xb1: {  	s11 =	sand.u32 $0x6000, s11;
	s10 =	sand.u32 $0x40, s10;
	s3 =	sand.u32 $0x1C00, s3;
	v20 =	vld [tilespmem:s24+$0xFC80];
	v6 =	vmul.f32 v6, v14  }
0xb2: {  	s9 =	sor.u32 s11, s9;
	s3 =	sor.u32 s3, s10;
	v11 =	vtrunc.f32 v11;
	v15 =	vadd.f32 v15, v15;
	v14 =	vld [tilespmem:s4+$0xFC80]  }
0xb3: {  	s23 =	sor.u32 s5, s9;
	s21 =	simm.s32 $0x10;
	s3 =	sor.u32 s15, s3;
	v11 =	vcvt.f32.s32 v11;
	v21 =	vadd.f32 v6, v8;
	v6 =	vmul.f32 v9, v16;
	v9 =	vld.idx.msk [tilespmem:v18+s8+$0xA880], $0xffff  }
0xb4: {  	s30 =	sshll.u32 s25, $0xC;
	s7 =	sor.u32 s7, s13;
	v8 =	vtrunc.f32 v15;
	v15 =	vld [tilespmem:s23+$0xFC80];
	[smem:$0x7F3] =	sst s25  }
0xb5: {  	s29 =	sand.u32 $0x380, s21;
	s16 =	sor.u32 s19, s7;
	v25 =	vadd.s32 v5, v11;
	v11 =	vmax.f32 v13, $-5.000000000e+00;
	[smem:$0x7F4] =	sst s30;
	v8 =	vcvt.f32.s32 v8  }
0xb6: {  	s18 =	sor.u32 s29, s3;
	v16 =	vld [tilespmem:s16+$0xFC80];
	v26 =	vadd.f32 v6, v17;
	v6 =	vmin.f32 v11, $5.000000000e+00;
	v11 =	vmax.f32 v19, $-5.000000000e+00  }
0xb7: {  	v22 =	vld [tilespmem:s18+$0xFC80];
	v13 =	vmax.f32 v14, $-5.000000000e+00;
	v19 =	vadd.s32 v5, v8;
	v8 =	vmin.f32 v11, $5.000000000e+00  }
0xb8: {  	s0 =	smul.u32 $0x150, s0;
	s11 =	simm.s32 $0xB80;
	v17 =	vadd.f32 $5.000000000e+00, v6;
	v11 =	vmin.f32 v13, $5.000000000e+00;
	v13 =	vmax.f32 v20, $-5.000000000e+00  }
0xb9: {  	s15 =	simm.s32 $0x9;
	s21 =	simm.s32 $0x5;
	s25 =	simm.s32 $0x4;
	v14 =	vmul.f32 v12, v9;
	v9 =	vadd.f32 $5.000000000e+00, v11;
	v13 =	vmin.f32 v13, $5.000000000e+00  }
0xba: {  	s17 =	simm.s32 $0x8;
	s1 =	simm.s32 $0xB;
	s12 =	sand.u32 $0x3C, s25;
	v12 =	vadd.f32 $5.000000000e+00, v8;
	v20 =	vadd.f32 v17, v17;
	v23 =	vmax.f32 v15, $-5.000000000e+00  }
0xbb: {  	s20 =	simm.s32 $0x6;
	s13 =	simm.s32 $0x170;
	s29 =	smul.u32 $0x150, s12;
	v15 =	vld.idx.msk [tilespmem:v25+s0+$0xA880], $0xffff;
	v16 =	vmax.f32 v16, $-5.000000000e+00;
	v24 =	vadd.f32 $5.000000000e+00, v13;
	v27 =	vadd.f32 v9, v9  }
0xbc: {  	s14 =	simm.s32 $0xA;
	s19 =	simm.s32 $0x7;
	s3 =	sand.u32 $0x3F, s1;
	v17 =	vld.idx.msk [tilespmem:v18+s8+$0x5480], $0xffff;
	v9 =	vmin.f32 v16, $5.000000000e+00;
	v28 =	vadd.f32 v12, v12;
	v12 =	vmax.f32 v22, $-5.000000000e+00  }
0xbd: {  	s30 =	sand.u32 $0x3D, s21;
	s12 =	sand.u32 $0x3D, s15;
	s15 =	smul.u32 $0x150, s3;
	v20 =	vtrunc.f32 v20;
	v16 =	vld.idx.msk [tilespmem:v19+s29+$0x5480], $0xffff;
	v12 =	vmin.f32 v12, $5.000000000e+00;
	v24 =	vadd.f32 v24, v24  }
0xbe: {  	s20 =	sand.u32 $0x3E, s20;
	s5 =	sand.u32 $0x3E, s14;
	[tilespmem:s2+$0x17C80] =	vst v21;
	s2 =	smul.u32 $0x150, s30;
	v18 =	vld.idx.msk [tilespmem:v19+s29+$0xA880], $0xffff;
	v22 =	vadd.f32 $5.000000000e+00, v9;
	v19 =	vcvt.f32.s32 v20;
	v27 =	vtrunc.f32 v27  }
0xbf: {  	s10 =	sand.u32 $0x3F, s19;
	s14 =	sand.u32 $0x3C, s17;
	[tilespmem:s6+$0x17C80] =	vst v26;
	v20 =	vld.idx.msk [tilespmem:v25+s0+$0x5480], $0xffff;
	s0 =	smul.u32 $0x150, s5;
	v21 =	vtrunc.f32 v28;
	v25 =	vadd.f32 $5.000000000e+00, v12;
	v26 =	vcvt.f32.s32 v27  }
.LBB2_5:
0xc0: {  	[smem:$0x7ED] =	sst s18  }
0xc1: {  	[dreg:$0x14] =	wrdreg s16;
	s6 =	sadd.s32 $0xFFFFFA80, s11;
	s5 =	smul.u32 $0x150, s10  }
0xc2: {  	s30 =	smov.u32 s22;
	s22 =	sadd.s32 $0xC, s22;
	s25 =	sadd.s32 $0xFFFFFF50, s13  }
0xc3: {  	s18 =	sand.u32 $0x1C00, s11;
	s3 =	sand.u32 $0x3C, s22;
	s7 =	sshll.u32 s22, $0x4  }
0xc4: {  	s8 =	sshll.u32 s22, $0x1;
	s6 =	sand.u32 $0x1C00, s6;
	s10 =	sand.u32 $0x40, s25  }
0xc5: {  	p1 =	slt.u32 s22, $0x3F0;
	s25 =	sadd.s32 $0xFFFFFFF0, s13;
	s7 =	sand.u32 $0x2000, s7  }
0xc6: {  	s16 =	sor.u32 $0x1, s3;
	s29 =	sor.u32 $0x2, s3;
	s17 =	sor.u32 $0x3, s3  }
0xc7: {  	v24 =	vtrunc.f32 v24;
	s8 =	sand.u32 $0x380, s8;
	s25 =	sand.u32 $0x60, s25;
	s1 =	sshll.u32 s16, $0x4  }
0xc8: {  	v24 =	vcvt.f32.s32 v24;
	s9 =	sshll.u32 s29, $0x4;
	s19 =	sshll.u32 s17, $0x4;
	s6 =	sor.u32 s6, s7  }
0xc9: {  	v10 =	vmul.f32 v10, v18;
	s7 =	sadd.s32 $0xFFFFFE00, s11;
	[smem:$0x7F1] =	sst s25;
	s25 =	smul.u32 $0x150, s29;
	v17 =	vadd.f32 v14, v17;
	v14 =	vmin.f32 v23, $5.000000000e+00  }
0xca: {  	s29 =	sld [smem:$0x7ED];
	v23 =	vadd.s32 v5, v26;
	v7 =	vmul.f32 v7, v15;
	v15 =	vadd.f32 v25, v25;
	s21 =	sand.u32 $0x50, s1;
	s6 =	sor.u32 s8, s6  }
0xcb: {  	s19 =	sand.u32 $0x70, s19;
	s1 =	sand.u32 $0x60, s9;
	v26 =	vadd.f32 $5.000000000e+00, v14;
	v10 =	vadd.f32 v10, v16;
	s8 =	sor.u32 s10, s6;
	[tilespmem:s28+$0x17C80] =	vst v17;
	v17 =	vadd.s32 v5, v24  }
0xcc: {  	s9 =	sor.u32 s19, s6;
	s10 =	smul.u32 $0x150, s17;
	v7 =	vadd.f32 v7, v20;
	v15 =	vtrunc.f32 v15;
	[dreg:$0x16] =	wrdreg s8  }
0xcd: {  	s17 =	sadd.s32 $0xFFFFFF80, s11;
	s19 =	sand.u32 $0x70, s13;
	[dreg:$0x13] =	wrdreg s9;
	v24 =	vld [tilespmem:s9+$0xFC80];
	v18 =	vadd.f32 v26, v26;
	v15 =	vcvt.f32.s32 v15;
	[tilespmem:s31+$0x17C80] =	vst v10  }
0xce: {  	v19 =	vadd.s32 v5, v19;
	s9 =	sadd.s32 $0x17, s30;
	s31 =	smov.u32 s23;
	s23 =	smul.u32 $0x150, s3;
	[tilespmem:s26+$0x17C80] =	vst v7;
	v7 =	vadd.f32 v22, v22;
	v22 =	vld [tilespmem:s8+$0xFC80]  }
0xcf: {  	s26 =	sor.u32 s21, s6;
	s21 =	sor.u32 s1, s6;
	s1 =	smul.u32 $0x150, s16;
	v16 =	vtrunc.f32 v18;
	v10 =	vadd.s32 v5, v15;
	v15 =	vcvt.f32.s32 v21;
	v21 =	vld.idx.msk [tilespmem:v23+s5+$0xA880], $0xffff  }
0xd0: {  	s28 =	sadd.s32 $0xFFFFFF00, s11;
	[dreg:$0x1b] =	wrdreg s9;
	s6 =	smul.u32 $0x150, s20;
	v16 =	vcvt.f32.s32 v16;
	v20 =	vld.idx.msk [tilespmem:v17+s0+$0xA880], $0xffff  }
0xd1: {  	s16 =	sadd.s32 $0xFFFFFC80, s11;
	s8 =	sadd.s32 $0x16, s30;
	v7 =	vtrunc.f32 v7;
	v17 =	vld.idx.msk [tilespmem:v17+s0+$0x5480], $0xffff;
	v15 =	vadd.s32 v5, v15;
	s0 =	smul.u32 $0x150, s12  }
0xd2: {  	s20 =	sshll.u32 s9, $0x1;
	v18 =	vld.idx.msk [tilespmem:v23+s5+$0x5480], $0xffff;
	[smem:$0x7EF] =	sst s21;
	v7 =	vcvt.f32.s32 v7;
	s12 =	smul.u32 $0x150, s14;
	v16 =	vadd.s32 v5, v16  }
0xd3: {  	s5 =	sadd.s32 $0xFFFFFD80, s11;
	s3 =	sand.u32 $0x1C00, s16;
	s16 =	sadd.s32 $0xFFFFFFE0, s13;
	v23 =	vld.idx.msk [tilespmem:v19+s0+$0x5480], $0xffff  }
0xd4: {  	[dreg:$0xd] =	wrdreg s1;
	s1 =	sadd.s32 $0xFFFFFD00, s11;
	s14 =	sadd.s32 $0xFFFFFE80, s11;
	v7 =	vadd.s32 v5, v7;
	v25 =	vld.idx.msk [tilespmem:v10+s12+$0x5480], $0xffff  }
0xd5: {  	s16 =	sand.u32 $0x50, s16;
	[dreg:$0x1f] =	wrdreg s14;
	v21 =	vmul.f32 v11, v21;
	v13 =	vmul.f32 v13, v20;
	v20 =	vld.idx.msk [tilespmem:v10+s12+$0xA880], $0xffff;
	v10 =	vmax.f32 v22, $-5.000000000e+00;
	s12 =	sor.u32 s18, s19  }
0xd6: {  	s14 =	sadd.s32 $0x14, s30;
	s19 =	sadd.s32 $0xFFFFFFD0, s13;
	v11 =	vmin.f32 v10, $5.000000000e+00;
	[dreg:$0x19] =	wrdreg s12;
	v10 =	vmax.f32 v24, $-5.000000000e+00;
	v24 =	vld.idx.msk [tilespmem:v15+s6+$0x5480], $0xffff  }
0xd7: {  	v18 =	vadd.f32 v21, v18;
	s18 =	sadd.s32 $0x13, s30;
	s12 =	sadd.s32 $0x15, s30;
	[smem:$0x7EE] =	sst s19;
	v13 =	vadd.f32 v13, v17;
	v17 =	vld.idx.msk [tilespmem:v16+s15+$0xA880], $0xffff  }
0xd8: {  	s19 =	sadd.s32 $0xFFFFFFB0, s13;
	v16 =	vld.idx.msk [tilespmem:v16+s15+$0x5480], $0xffff;
	s15 =	sand.u32 $0x380, s20;
	s20 =	sand.u32 $0x1C00, s17  }
0xd9: {  	[tilespmem:s4+$0x17C80] =	vst v18;
	v18 =	vld.idx.msk [tilespmem:v19+s0+$0xA880], $0xffff;
	s17 =	sadd.s32 $0x12, s30;
	s4 =	sadd.s32 $0x10, s30;
	[dreg:$0x1c] =	wrdreg s15  }
0xda: {  	v22 =	vadd.f32 $5.000000000e+00, v11;
	v19 =	vld.idx.msk [tilespmem:v7+s2+$0xA880], $0xffff;
	s0 =	sand.u32 $0x1C00, s28;
	s19 =	sand.u32 $0x60, s19;
	[smem:$0x7F0] =	sst s20  }
0xdb: {  	v10 =	vmin.f32 v10, $5.000000000e+00;
	v7 =	vld.idx.msk [tilespmem:v7+s2+$0x5480], $0xffff;
	s15 =	smov.u32 s26;
	s28 =	sshll.u32 s4, $0x4;
	s2 =	sshll.u32 s4, $0x1  }
0xdc: {  	v21 =	vadd.f32 $5.000000000e+00, v10;
	s0 =	sor.u32 s0, s16;
	[tilespmem:s24+$0x17C80] =	vst v13;
	v13 =	vld.idx.msk [tilespmem:v15+s6+$0xA880], $0xffff;
	v15 =	vadd.f32 v22, v22;
	s6 =	sadd.s32 $0xFFFFFFC0, s13;
	s24 =	sshll.u32 s9, $0x4  }
0xdd: {  	s9 =	sadd.s32 $0xFFFFFFA0, s13;
	s20 =	sand.u32 $0x6000, s28;
	[smem:$0x7F2] =	sst s24  }
0xde: {  	v12 =	vmul.f32 v12, v20;
	v20 =	vld [tilespmem:s21+$0xFC80];
	v21 =	vadd.f32 v21, v21;
	s21 =	sadd.s32 $0x11, s30;
	s24 =	sadd.s32 $0xFFFFFF90, s13;
	s30 =	sand.u32 $0x1C00, s5;
	v15 =	vtrunc.f32 v15  }
0xdf: {  	s5 =	sshll.u32 s18, $0x4;
	s6 =	sand.u32 $0x70, s6;
	s24 =	sand.u32 $0x40, s24;
	v14 =	vmul.f32 v14, v17;
	v15 =	vcvt.f32.s32 v15  }
0xe0: {  	s28 =	sand.u32 $0x6000, s5;
	s19 =	sor.u32 s30, s19;
	v12 =	vadd.f32 v12, v25;
	v17 =	vld [tilespmem:s26+$0xFC80];
	v21 =	vtrunc.f32 v21;
	s26 =	sshll.u32 s12, $0x1;
	v6 =	vmul.f32 v6, v18  }
0xe1: {  	s3 =	sor.u32 s3, s24;
	s24 =	sand.u32 $0x380, s2;
	s2 =	sshll.u32 s14, $0x4;
	v14 =	vadd.f32 v14, v16;
	v15 =	vadd.s32 v5, v15;
	v8 =	vmul.f32 v8, v13  }
0xe2: {  	s3 =	sor.u32 s20, s3;
	s20 =	sshll.u32 s17, $0x1;
	s5 =	sand.u32 $0x6000, s2;
	v16 =	vcvt.f32.s32 v21;
	[tilespmem:s29+$0x17C80] =	vst v12;
	v13 =	vmul.f32 v9, v19;
	v6 =	vadd.f32 v6, v23  }
0xe3: {  	s2 =	rddreg [dreg:$0x4];
	s29 =	sand.u32 $0x1C00, s7;
	s7 =	sand.u32 $0x1C00, s1;
	v12 =	vmax.f32 v20, $-5.000000000e+00;
	[tilespmem:s31+$0x17C80] =	vst v14;
	v8 =	vadd.f32 v8, v24  }
0xe4: {  	v9 =	vmin.f32 v12, $5.000000000e+00;
	v12 =	vadd.s32 v5, v16;
	s31 =	sor.u32 s24, s3;
	v13 =	vadd.f32 v13, v7;
	s24 =	rddreg [dreg:$0x5];
	s3 =	sand.u32 $0x50, s9;
	[tilespmem:s2+$0x17C80] =	vst v6  }
0xe5: {  	s16 =	sand.u32 $0x380, s20;
	s7 =	sor.u32 s7, s3;
	s3 =	rddreg [dreg:$0x14];
	[tilespmem:s24+$0x17C80] =	vst v8  }
0xe6: {  	s9 =	sshll.u32 s21, $0x1;
	s2 =	sshll.u32 s18, $0x1;
	s24 =	sshll.u32 s21, $0x4;
	[tilespmem:s3+$0x17C80] =	vst v13;
	v13 =	vld [tilespmem:s31+$0xFC80]  }
0xe7: {  	v14 =	vmax.f32 v17, $-5.000000000e+00;
	v16 =	vadd.f32 $5.000000000e+00, v9;
	s3 =	sand.u32 $0x380, s9;
	s9 =	sshll.u32 s12, $0x4;
	v8 =	vld.idx.msk [tilespmem:v15+s23+$0xA880], $0xffff;
	s24 =	sand.u32 $0x6000, s24  }
0xe8: {  	v7 =	vmin.f32 v14, $5.000000000e+00;
	v6 =	vld.idx.msk [tilespmem:v15+s23+$0x5480], $0xffff;
	s20 =	sand.u32 $0x6000, s9;
	s23 =	sand.u32 $0x380, s26;
	s26 =	rddreg [dreg:$0x1f]  }
0xe9: {  	v14 =	vadd.f32 $5.000000000e+00, v7;
	v15 =	vadd.f32 v16, v16;
	s9 =	smov.u32 s22;
	s0 =	sor.u32 s20, s0;
	s20 =	sshll.u32 s17, $0x4;
	v16 =	vld.idx.msk [tilespmem:v12+s10+$0xA880], $0xffff  }
0xea: {  	s26 =	sand.u32 $0x1C00, s26;
	v12 =	vld.idx.msk [tilespmem:v12+s10+$0x5480], $0xffff;
	s10 =	sld [smem:$0x7EE];
	s22 =	sor.u32 s23, s0  }
0xeb: {  	v14 =	vadd.f32 v14, v14;
	v15 =	vtrunc.f32 v15;
	s20 =	sand.u32 $0x6000, s20;
	s23 =	sor.u32 s29, s6;
	s29 =	sand.u32 $0x380, s2  }
0xec: {  	s0 =	sand.u32 $0x3C, s4;
	v15 =	vcvt.f32.s32 v15;
	s2 =	sor.u32 s28, s23;
	[dreg:$0x4] =	wrdreg s22  }
0xed: {  	s19 =	sor.u32 s20, s19;
	s20 =	sshll.u32 s8, $0x4;
	s23 =	sld [smem:$0x7F0];
	v14 =	vtrunc.f32 v14;
	v8 =	vmul.f32 v11, v8  }
0xee: {  	s4 =	sor.u32 s29, s2;
	s29 =	sld [smem:$0x7F1];
	s10 =	sand.u32 $0x40, s10;
	v11 =	vcvt.f32.s32 v14;
	v17 =	vadd.s32 v5, v15  }
0xef: {  	s6 =	sor.u32 s16, s19;
	s19 =	sshll.u32 s8, $0x1;
	s10 =	sor.u32 s26, s10;
	v6 =	vadd.f32 v8, v6;
	v8 =	vmax.f32 v13, $-5.000000000e+00;
	v13 =	vmul.f32 v10, v16  }
0xf0: {  	s26 =	smov.u32 s15;
	s15 =	rddreg [dreg:$0x16];
	v19 =	vadd.s32 v5, v11;
	v11 =	vld [tilespmem:s22+$0xFC80];
	s22 =	smov.u32 s9;
	v10 =	vmin.f32 v8, $5.000000000e+00  }
0xf1: {  	s30 =	sor.u32 s23, s29;
	s9 =	sand.u32 $0x6000, s20;
	s20 =	sld [smem:$0x7F2];
	[tilespmem:s15+$0x17C80] =	vst v6;
	v6 =	vadd.f32 $5.000000000e+00, v10;
	v8 =	vadd.f32 v13, v12;
	v12 =	vld [tilespmem:s4+$0xFC80]  }
0xf2: {  	[dreg:$0x5] =	wrdreg s6;
	s16 =	sand.u32 $0x380, s19;
	v13 =	vld [tilespmem:s6+$0xFC80];
	s6 =	sor.u32 s9, s30  }
0xf3: {  	s7 =	sor.u32 s24, s7;
	s29 =	rddreg [dreg:$0x13];
	v14 =	vld.idx.msk [tilespmem:v17+s25+$0xA880], $0xffff;
	s24 =	sor.u32 s16, s6;
	v6 =	vadd.f32 v6, v6  }
0xf4: {  	s1 =	sshll.u32 s14, $0x1;
	s30 =	rddreg [dreg:$0x19];
	s23 =	sand.u32 $0x6000, s20;
	v16 =	vld [tilespmem:s24+$0xFC80]  }
0xf5: {  	s16 =	sor.u32 s3, s7;
	s7 =	rddreg [dreg:$0x1c];
	s2 =	sor.u32 s23, s30;
	v6 =	vtrunc.f32 v6  }
0xf6: {  	s1 =	sand.u32 $0x380, s1;
	s5 =	sor.u32 s5, s10;
	[tilespmem:s29+$0x17C80] =	vst v8;
	v20 =	vld [tilespmem:s16+$0xFC80];
	v8 =	vmax.f32 v11, $-5.000000000e+00;
	s23 =	sor.u32 s7, s2;
	v11 =	vcvt.f32.s32 v6  }
0xf7: {  	s10 =	sand.u32 $0x3F, s18;
	s18 =	sor.u32 s1, s5;
	v18 =	vld [tilespmem:s23+$0xFC80];
	v6 =	vmin.f32 v8, $5.000000000e+00;
	v12 =	vmax.f32 v12, $-5.000000000e+00  }
0xf8: {  	v22 =	vld [tilespmem:s18+$0xFC80];
	v8 =	vmax.f32 v13, $-5.000000000e+00;
	v14 =	vmul.f32 v9, v14;
	v21 =	vadd.s32 v5, v11  }
0xf9: {  	v9 =	vadd.f32 $5.000000000e+00, v6;
	v11 =	vmin.f32 v12, $5.000000000e+00;
	v12 =	vmax.f32 v16, $-5.000000000e+00  }
0xfa: {  	v8 =	vmin.f32 v8, $5.000000000e+00;
	v16 =	vadd.f32 $5.000000000e+00, v11;
	v13 =	vmin.f32 v12, $5.000000000e+00  }
0xfb: {  	s0 =	smul.u32 $0x150, s0;
	s30 =	rddreg [dreg:$0xd];
	v12 =	vadd.f32 $5.000000000e+00, v8;
	v24 =	vadd.f32 v9, v9;
	v9 =	vmax.f32 v20, $-5.000000000e+00  }
.Ltmp3:
0xfc: {  	s19 =	sand.u32 $0x3D, s21;
	s21 =	rddreg [dreg:$0x1b];
	v15 =	vld.idx.msk [tilespmem:v19+s30+$0xA880], $0xffff;
	v23 =	vmax.f32 v18, $-5.000000000e+00;
	v20 =	vadd.f32 $5.000000000e+00, v13;
	v9 =	vmin.f32 v9, $5.000000000e+00;
	(pc) =	sbr.rel @p1 .LBB2_5-.Ltmp3, $4  }
0xfd: {  	s11 =	sadd.s32 $0x600, s11;
	s13 =	sadd.s32 $0xC0, s13;
	s29 =	sand.u32 $0x3F, s21;
	v25 =	vadd.f32 v16, v16;
	v26 =	vadd.f32 v12, v12;
	v12 =	vmax.f32 v22, $-5.000000000e+00;
	v16 =	vld.idx.msk [tilespmem:v21+s0+$0x5480], $0xffff  }
0xfe: {  	s14 =	sand.u32 $0x3C, s14;
	s12 =	sand.u32 $0x3D, s12;
	s15 =	smul.u32 $0x150, s29;
	v22 =	vadd.f32 $5.000000000e+00, v9;
	v12 =	vmin.f32 v12, $5.000000000e+00;
	v18 =	vld.idx.msk [tilespmem:v21+s0+$0xA880], $0xffff;
	v21 =	vtrunc.f32 v24  }
0xff: {  	s28 =	sld [smem:$0x7EF];
	s9 =	sand.u32 $0x3E, s8;
	s2 =	smul.u32 $0x150, s19;
	v24 =	vadd.f32 v20, v20;
	v20 =	vld.idx.msk [tilespmem:v19+s30+$0x5480], $0xffff;
	v25 =	vtrunc.f32 v25;
	v19 =	vcvt.f32.s32 v21  }
0x100: {  	s20 =	sand.u32 $0x3E, s17;
	v17 =	vld.idx.msk [tilespmem:v17+s25+$0x5480], $0xffff;
	s6 =	simm.s32 $0x40;
	s0 =	smul.u32 $0x150, s9;
	v21 =	vtrunc.f32 v26;
	v26 =	vcvt.f32.s32 v25;
	v25 =	vadd.f32 $5.000000000e+00, v12  }
0x101: {  	v23 =	vmin.f32 v23, $5.000000000e+00;
	v19 =	vadd.s32 v5, v19  }
0x102: {  	v24 =	vtrunc.f32 v24;
	v27 =	vadd.f32 $5.000000000e+00, v23;
	v25 =	vadd.f32 v25, v25  }
0x103: {  	v7 =	vmul.f32 v7, v15;
	v24 =	vcvt.f32.s32 v24;
	v26 =	vadd.s32 v5, v26  }
0x104: {  	s30 =	smul.u32 $0x150, s12;
	v27 =	vadd.f32 v27, v27;
	v25 =	vtrunc.f32 v25  }
0x105: {  	v24 =	vadd.s32 v5, v24;
	v7 =	vadd.f32 v7, v20;
	v25 =	vcvt.f32.s32 v25  }
0x106: {  	s1 =	smul.u32 $0x150, s10;
	v27 =	vtrunc.f32 v27;
	v58 =	vld.idx.msk [tilespmem:v19+s30+$0xA880], $0xffff  }
0x107: {  	v22 =	vadd.f32 v22, v22;
	[tilespmem:s26+$0x17C80] =	vst v7;
	v7 =	vld.idx.msk [tilespmem:v19+s30+$0x5480], $0xffff;
	v27 =	vcvt.f32.s32 v27;
	v25 =	vadd.s32 v5, v25  }
0x108: {  	v21 =	vcvt.f32.s32 v21;
	v28 =	vld.idx.msk [tilespmem:v26+s1+$0x5480], $0xffff  }
0x109: {  	v22 =	vtrunc.f32 v22;
	v26 =	vld.idx.msk [tilespmem:v26+s1+$0xA880], $0xffff;
	v27 =	vadd.s32 v5, v27  }
0x10a: {  	s25 =	smul.u32 $0x150, s14;
	v21 =	vadd.s32 v5, v21;
	v22 =	vcvt.f32.s32 v22;
	v29 =	vld.idx.msk [tilespmem:v24+s0+$0xA880], $0xffff  }
0x10b: {  	v24 =	vld.idx.msk [tilespmem:v24+s0+$0x5480], $0xffff  }
0x10c: {  	v22 =	vadd.s32 v5, v22;
	v30 =	vld.idx.msk [tilespmem:v25+s25+$0x5480], $0xffff  }
0x10d: {  	s29 =	smul.u32 $0x150, s20;
	v25 =	vld.idx.msk [tilespmem:v25+s25+$0xA880], $0xffff  }
0x10e: {  	v31 =	vld.idx.msk [tilespmem:v27+s15+$0xA880], $0xffff  }
0x10f: {  	v10 =	vmul.f32 v10, v18;
	v57 =	vld.idx.msk [tilespmem:v21+s29+$0xA880], $0xffff  }
0x110: {  	v14 =	vadd.f32 v14, v17;
	v11 =	vmul.f32 v11, v26;
	v27 =	vld.idx.msk [tilespmem:v27+s15+$0x5480], $0xffff  }
0x111: {  	v10 =	vadd.f32 v10, v16;
	v59 =	vld.idx.msk [tilespmem:v22+s2+$0xA880], $0xffff;
	v13 =	vmul.f32 v13, v29  }
0x112: {  	[tilespmem:s28+$0x17C80] =	vst v14;
	v56 =	vld.idx.msk [tilespmem:v21+s29+$0x5480], $0xffff;
	v60 =	vadd.f32 v11, v28;
	v12 =	vmul.f32 v12, v25  }
0x113: {  	[tilespmem:s31+$0x17C80] =	vst v10;
	v62 =	vld.idx.msk [tilespmem:v22+s2+$0x5480], $0xffff;
	v13 =	vadd.f32 v13, v24;
	v61 =	vmul.f32 v23, v31  }
0x114: {  	[tilespmem:s4+$0x17C80] =	vst v60;
	v12 =	vadd.f32 v12, v30  }
0x115: {  	v8 =	vmul.f32 v8, v57;
	[tilespmem:s24+$0x17C80] =	vst v13;
	v63 =	vadd.f32 v61, v27  }
0x116: {  	v6 =	vmul.f32 v6, v58;
	v9 =	vmul.f32 v9, v59;
	[tilespmem:s18+$0x17C80] =	vst v12  }
0x117: {  	v8 =	vadd.f32 v8, v56;
	[tilespmem:s23+$0x17C80] =	vst v63  }
0x118: {  	v6 =	vadd.f32 v6, v7;
	v7 =	vadd.f32 v9, v62;
	s31 =	rddreg [dreg:$0x5]  }
0x119: {  	[tilespmem:s31+$0x17C80] =	vst v8  }
0x11a: {  	s3 =	simm.s32 $0xF740;
	s0 =	rddreg [dreg:$0x4];
	[tilespmem:s16+$0x17C80] =	vst v7  }
0x11b: {  	s5 =	simm.s32 $0x3FC;
	s7 =	simm.s32 $0x1FE00;
	s4 =	simm.s32 $0xA340;
	[tilespmem:s0+$0x17C80] =	vst v6  }
.LBB2_7:
0x11c: {  	s0 =	sshll.u32 s5, $0x4  }
0x11d: {  	s0 =	sand.u32 $0xFFFFE000, s0  }
0x11e: {  	s1 =	sand.u32 $0x1C00, s7;
	s2 =	sshll.u32 s5, $0x1;
	s0 =	sadd.s32 s0, s6  }
0x11f: {  	s31 =	sand.u32 $0x380, s2;
	s0 =	sadd.s32 s1, s0  }
0x120: {  	s0 =	sadd.s32 s31, s0  }
0x121: {  	v6 =	vld [tilespmem:s0+$0xFC80];
	_ =	sdelay $0x4  }
0x122: {  	v6 =	vmax.f32 v6, $-5.000000000e+00  }
0x123: {  	v6 =	vmin.f32 v6, $5.000000000e+00  }
0x124: {  	v7 =	vadd.f32 $5.000000000e+00, v6;
	_ =	sdelay $0x1  }
0x125: {  	v7 =	vadd.f32 v7, v7;
	_ =	sdelay $0x1  }
0x126: {  	v7 =	vtrunc.f32 v7  }
0x127: {  	v7 =	vcvt.f32.s32 v7;
	_ =	sdelay $0x1  }
0x128: {  	v7 =	vadd.s32 v5, v7;
	_ =	sdelay $0x4  }
0x129: {  	v8 =	vld.idx.msk [tilespmem:v7+s3+$0x0], $0xffff;
	_ =	sdelay $0x1  }
0x12a: {  	v7 =	vld.idx.msk [tilespmem:v7+s4+$0x0], $0xffff;
	_ =	sdelay $0x1  }
0x12b: {  	p1 =	sne.s32 s7, $0x1FF80  }
.Ltmp4:
0x12c: {  	v6 =	vmul.f32 v6, v8;
	(pc) =	sbr.rel @p1 .LBB2_7-.Ltmp4, $4  }
0x12d: {  	_ = 	snop  }
0x12e: {  	v6 =	vadd.f32 v6, v7  }
0x12f: {  	s5 =	sadd.s32 $0x1, s5;
	s7 =	sadd.s32 $0x80, s7  }
0x130: {  	s6 =	sadd.s32 $0x10, s6;
	s3 =	sadd.s32 $0x150, s3;
	s4 =	sadd.s32 $0x150, s4;
	[tilespmem:s0+$0x17C80] =	vst v6  }
0x131: {  	s31 =	sld [smem:$0x7F3];
	_ =	sdelay $0x2  }
0x132: {  	s0 =	sld [smem:$0x7FC];
	p1 =	sne.s32 s31, $0x7  }
.Ltmp5:
0x133: {  	s3 =	sld [smem:$0x7F4];
	(pc) =	sbr.rel @p1 .LBB2_10-.Ltmp5, $3  }
0x134: {  	_ =	sdelay $0x1  }
0x135: {  	s1 =	simm.s32 $0x0;
	s2 =	simm.s32 $0x17C80;
	s0 =	sadd.s32 s3, s0  }
0x136: {  	[hbm4b:s0+s1] =	stream.linear.scatter [tilespmem:s2], [sflag:$0x3], $0x4000, $0x38;
	[tilespmem:$0x1FC80] =	vst v63  }
.Ltmp6:
0x137: {  	(pc) =	sbr.rel .LBB2_11-.Ltmp6, $4  }
0x138: {  	s0 =	simm.s32 $0x2  }
0x139: {  	_ =	swait.ge [sflag:s0], $0x4000  }
0x13a: {  	[sflag:s0] =	ssyncset.done $0x0  }
0x13b: {  	[sflag:s0] =	ssyncadd.s32 $0xFFFFC000  }
.LBB2_10:
0x13c: {  	s0 =	sld [smem:$0x7F8];
	_ =	sdelay $0x1  }
0x13d: {  	s2 =	simm.s32 $0xFC80  }
.Ltmp7:
0x13e: {  	s31 =	simm.s32 $0x2;
	s0 =	sadd.s32 s3, s0;
	(pc) =	sbr.rel @p0 .LBB2_12-.Ltmp7, $4  }
0x13f: {  	[tilespmem:s2], [sflag:$0x1] =	stream.linear.gather [hbm4b:s0+s1], $0x4000, $0x38;
	[tilespmem:$0x1FC80] =	vst v63  }
0x140: {  	_ =	swait.ge [sflag:s31], $0x4000  }
0x141: {  	[sflag:s31] =	ssyncset.done $0x0  }
0x142: {  	[sflag:s31] =	ssyncadd.s32 $0xFFFFC000  }
.LBB2_11:
0x143: {  	s0 =	simm.s32 $0x4  }
0x144: {  	_ =	swait.ge [sflag:s0], $0x4000  }
0x145: {  	[sflag:s0] =	ssyncset.done $0x0  }
0x146: {  	[sflag:s0] =	ssyncadd.s32 $0xFFFFC000  }
.LBB2_12:
0x147: {  	s24 =	simm.s32 $0x0;
	s29 =	simm.s32 $0x580;
	s12 =	simm.s32 $0xB0  }
0x148: {  	s4 =	simm.s32 $0x0;
	s0 =	simm.s32 $0x0;
	s9 =	simm.s32 $0x0  }
0x149: {  	s3 =	simm.s32 $0x60;
	s13 =	simm.s32 $0x90;
	s5 =	simm.s32 $0x300  }
0x14a: {  	s15 =	simm.s32 $0x80;
	s7 =	simm.s32 $0xA0;
	s14 =	simm.s32 $0x50  }
0x14b: {  	s18 =	simm.s32 $0x40;
	s19 =	simm.s32 $0x380;
	s20 =	simm.s32 $0x280  }
0x14c: {  	s21 =	simm.s32 $0x200;
	s22 =	simm.s32 $0x40;
	s26 =	simm.s32 $0x50  }
0x14d: {  	s17 =	simm.s32 $0x8;
	s2 =	sand.u32 $0x3C, s24;
	s0 =	sand.u32 $0x380, s0  }
0x14e: {  	s13 =	sand.u32 $0x50, s13;
	s16 =	sand.u32 $0x70, s12;
	s12 =	sand.u32 $0x60, s7  }
0x14f: {  	s25 =	sand.u32 $0x1C00, s29;
	s14 =	sand.u32 $0x50, s14;
	s18 =	sand.u32 $0x40, s18  }
0x150: {  	s21 =	sand.u32 $0x1C00, s21;
	s22 =	sand.u32 $0x6000, s22;
	s20 =	sand.u32 $0x1C00, s20  }
0x151: {  	s7 =	sand.u32 $0x6000, s26;
	s26 =	simm.s32 $0x70;
	s19 =	sand.u32 $0x1C00, s19  }
0x152: {  	s15 =	sand.u32 $0x40, s15;
	s5 =	sand.u32 $0x1C00, s5;
	s3 =	sand.u32 $0x60, s3  }
0x153: {  	s4 =	sand.u32 $0x2000, s4;
	s9 =	sand.u32 $0x40, s9;
	s1 =	sor.u32 $0x1, s2  }
0x154: {  	s23 =	sor.u32 $0x2, s2;
	s6 =	sor.u32 $0x3, s2;
	s21 =	sor.u32 s21, s22  }
0x155: {  	s20 =	sor.u32 s20, s7;
	s7 =	sand.u32 $0x380, s17;
	s22 =	sand.u32 $0x6000, s26  }
0x156: {  	s17 =	simm.s32 $0xE;
	s26 =	simm.s32 $0x70;
	s8 =	sshll.u32 s1, $0x4  }
0x157: {  	s10 =	sshll.u32 s23, $0x4;
	s21 =	sor.u32 s7, s21;
	s19 =	sor.u32 s19, s22  }
0x158: {  	s22 =	sand.u32 $0x380, s17;
	s26 =	sand.u32 $0x70, s26;
	s17 =	sor.u32 s18, s21  }
0x159: {  	s21 =	simm.s32 $0x400;
	s19 =	sor.u32 s22, s19;
	s22 =	simm.s32 $0x80  }
0x15a: {  	s7 =	simm.s32 $0xB0;
	s18 =	sand.u32 $0x1C00, s21;
	s21 =	sand.u32 $0x6000, s22  }
0x15b: {  	s26 =	sor.u32 s26, s19;
	s18 =	sor.u32 s18, s21;
	s21 =	simm.s32 $0x10  }
0x15c: {  	s22 =	simm.s32 $0xA0;
	s19 =	sand.u32 $0x6000, s7;
	s21 =	sand.u32 $0x380, s21  }
0x15d: {  	s7 =	sor.u32 s25, s19;
	s19 =	simm.s32 $0x500;
	s18 =	sor.u32 s21, s18  }
0x15e: {  	s22 =	sand.u32 $0x6000, s22;
	s30 =	sor.u32 s15, s18;
	s18 =	simm.s32 $0xA  }
0x15f: {  	s25 =	simm.s32 $0x16;
	s15 =	sand.u32 $0x380, s18;
	s18 =	sand.u32 $0x1C00, s19  }
0x160: {  	v6 =	vld [tilespmem:s17+$0x13C80];
	s21 =	smov.u32 s17;
	s15 =	sor.u32 s15, s20;
	s18 =	sor.u32 s18, s22  }
0x161: {  	s22 =	simm.s32 $0x480;
	s20 =	sand.u32 $0x380, s25;
	s25 =	simm.s32 $0x90  }
0x162: {  	s19 =	sand.u32 $0x1C00, s22;
	s7 =	sor.u32 s20, s7;
	s17 =	sor.u32 s14, s15  }
0x163: {  	v8 =	vld [tilespmem:s26+$0x13C80];
	s15 =	simm.s32 $0x12;
	s22 =	sand.u32 $0x6000, s25;
	s25 =	simm.s32 $0x14  }
0x164: {  	v7 =	vld [tilespmem:s30+$0x13C80];
	s14 =	sor.u32 s19, s22;
	s15 =	sand.u32 $0x380, s15;
	s19 =	sand.u32 $0x380, s25  }
0x165: {  	v6 =	vmax.f32 v6, $-5.000000000e+00;
	s20 =	sor.u32 s16, s7;
	[dreg:$0x6] =	wrdreg s17;
	s22 =	simm.s32 $0x60  }
0x166: {  	v13 =	vmin.f32 v6, $5.000000000e+00;
	s25 =	simm.s32 $0xC;
	s16 =	simm.s32 $0x0;
	v10 =	vld [tilespmem:s17+$0x13C80];
	s17 =	sor.u32 s15, s14  }
0x167: {  	v12 =	vadd.f32 $5.000000000e+00, v13;
	s19 =	sor.u32 s19, s18;
	v11 =	vld [tilespmem:s20+$0x13C80];
	s7 =	sand.u32 $0x6000, s22;
	s15 =	sand.u32 $0x380, s25  }
0x168: {  	s31 =	sor.u32 s13, s17;
	s14 =	sor.u32 s12, s19;
	s5 =	sor.u32 s5, s7  }
0x169: {  	v8 =	vmax.f32 v8, $-5.000000000e+00;
	v12 =	vadd.f32 v12, v12;
	v7 =	vmax.f32 v7, $-5.000000000e+00;
	s17 =	sand.u32 $0x1C00, s16;
	v6 =	vld [tilespmem:s31+$0x13C80];
	s5 =	sor.u32 s15, s5;
	[dreg:$0xb] =	wrdreg s14  }
0x16a: {  	s11 =	sshll.u32 s6, $0x4;
	v14 =	vmin.f32 v8, $5.000000000e+00;
	v9 =	vmin.f32 v7, $5.000000000e+00;
	s4 =	sor.u32 s17, s4;
	v7 =	vld [tilespmem:s14+$0x13C80];
	s18 =	sor.u32 s3, s5  }
0x16b: {  	v18 =	vadd.f32 $5.000000000e+00, v14;
	s22 =	sand.u32 $0x70, s11;
	v12 =	vtrunc.f32 v12;
	v16 =	vadd.f32 $5.000000000e+00, v9;
	s0 =	sor.u32 s0, s4;
	[dreg:$0x17] =	wrdreg s18  }
0x16c: {  	s28 =	smul.u32 $0x150, s1;
	s19 =	sand.u32 $0x60, s10;
	v12 =	vcvt.f32.s32 v12;
	v17 =	vld [tilespmem:s18+$0x13C80];
	v8 =	vmax.f32 v10, $-5.000000000e+00;
	v10 =	vmax.f32 v11, $-5.000000000e+00;
	s18 =	sor.u32 s22, s0  }
0x16d: {  	s8 =	sand.u32 $0x50, s8;
	s25 =	simm.s32 $0x7;
	v18 =	vadd.f32 v18, v18;
	s3 =	sor.u32 s19, s0;
	v16 =	vadd.f32 v16, v16;
	v11 =	vmin.f32 v10, $5.000000000e+00;
	v10 =	vld [tilespmem:s18+$0x13C80]  }
0x16e: {  	s10 =	simm.s32 $0x9;
	s11 =	sand.u32 $0x3F, s25;
	v21 =	vadd.s32 v5, v12;
	v8 =	vmin.f32 v8, $5.000000000e+00;
	[dreg:$0x1a] =	wrdreg s3;
	v6 =	vmax.f32 v6, $-5.000000000e+00  }
0x16f: {  	s12 =	simm.s32 $0xB;
	s25 =	smul.u32 $0x150, s23;
	s23 =	smov.u32 s20;
	v19 =	vld [tilespmem:s3+$0x13C80];
	v15 =	vmin.f32 v6, $5.000000000e+00;
	v6 =	vadd.f32 $5.000000000e+00, v11;
	v7 =	vmax.f32 v7, $-5.000000000e+00  }
0x170: {  	s11 =	smul.u32 $0x150, s11;
	s15 =	simm.s32 $0x5;
	s4 =	simm.s32 $0x6;
	v24 =	vtrunc.f32 v16;
	v20 =	vadd.f32 $5.000000000e+00, v15;
	v7 =	vmin.f32 v7, $5.000000000e+00  }
0x171: {  	s5 =	simm.s32 $0xA;
	s14 =	simm.s32 $0x4;
	s15 =	sand.u32 $0x3D, s15;
	v22 =	vadd.f32 v6, v6;
	v6 =	vmax.f32 v17, $-5.000000000e+00;
	v17 =	vtrunc.f32 v18  }
0x172: {  	s19 =	sor.u32 s9, s0;
	s17 =	sor.u32 s8, s0;
	s8 =	smul.u32 $0x150, s6;
	v6 =	vmin.f32 v6, $5.000000000e+00;
	v17 =	vcvt.f32.s32 v17;
	v10 =	vmax.f32 v10, $-5.000000000e+00  }
0x173: {  	s16 =	sand.u32 $0x3C, s14;
	s20 =	sand.u32 $0x3E, s4;
	s6 =	smul.u32 $0x150, s2;
	v23 =	vadd.f32 v20, v20;
	v12 =	vadd.f32 $5.000000000e+00, v6;
	v18 =	vtrunc.f32 v22  }
0x174: {  	s22 =	simm.s32 $0x8;
	s0 =	sand.u32 $0x3F, s12;
	s7 =	smul.u32 $0x150, s20;
	v22 =	vmax.f32 v19, $-5.000000000e+00;
	v20 =	vcvt.f32.s32 v18;
	v18 =	vadd.s32 v5, v17  }
0x175: {  	s1 =	smul.u32 $0x150, s16;
	s12 =	sand.u32 $0x3C, s22;
	s22 =	sand.u32 $0x3E, s5;
	v16 =	vld [tilespmem:s17+$0x13C80];
	v23 =	vtrunc.f32 v23;
	v19 =	vadd.f32 v12, v12;
	v12 =	vmin.f32 v10, $5.000000000e+00  }
0x176: {  	s2 =	sand.u32 $0x3D, s10;
	s20 =	simm.s32 $0x170;
	s22 =	smul.u32 $0x150, s22;
	v17 =	vld [tilespmem:s19+$0x13C80];
	v10 =	vmin.f32 v22, $5.000000000e+00;
	v22 =	vcvt.f32.s32 v24;
	v20 =	vadd.s32 v5, v20  }
.LBB2_13:
0x177: {  	s4 =	smul.u32 $0x150, s0;
	s29 =	sadd.s32 $0x600, s29  }
0x178: {  	s10 =	smov.u32 s24;
	s24 =	sadd.s32 $0xC, s24;
	s12 =	smul.u32 $0x150, s12  }
0x179: {  	s2 =	smul.u32 $0x150, s2;
	s3 =	sand.u32 $0x3C, s24;
	s0 =	sshll.u32 s24, $0x4  }
0x17a: {  	s5 =	sshll.u32 s24, $0x1;
	[dreg:$0x7] =	wrdreg s3;
	s16 =	sor.u32 $0x1, s3  }
0x17b: {  	p0 =	slt.u32 s24, $0x3F0;
	s9 =	sor.u32 $0x2, s3;
	[dreg:$0xa] =	wrdreg s16  }
0x17c: {  	v24 =	vld.idx.msk [tilespmem:v21+s1+$0x5480], $0xffff;
	s3 =	sor.u32 $0x3, s3;
	s0 =	sand.u32 $0x2000, s0;
	[dreg:$0x9] =	wrdreg s9  }
0x17d: {  	v21 =	vld.idx.msk [tilespmem:v21+s1+$0xA880], $0xffff;
	[dreg:$0x8] =	wrdreg s3;
	s1 =	sshll.u32 s16, $0x4;
	s13 =	sshll.u32 s9, $0x4  }
0x17e: {  	s14 =	sshll.u32 s3, $0x4;
	s3 =	smul.u32 $0x150, s15;
	[smem:$0x7EC] =	sst s0  }
0x17f: {  	s16 =	sand.u32 $0x380, s5;
	s5 =	sadd.s32 $0xFFFFFF50, s20;
	[dreg:$0xc] =	wrdreg s1  }
0x180: {  	s15 =	sadd.s32 $0xFFFFFFD0, s20;
	[dreg:$0x10] =	wrdreg s16;
	s1 =	sand.u32 $0x60, s13  }
0x181: {  	v25 =	vadd.f32 $5.000000000e+00, v8;
	v28 =	vld.idx.msk [tilespmem:v18+s11+$0x5480], $0xffff;
	v22 =	vadd.s32 v5, v22;
	s0 =	sadd.s32 $0x13, s10;
	s9 =	sand.u32 $0x70, s14;
	[dreg:$0xf] =	wrdreg s1  }
0x182: {  	v23 =	vcvt.f32.s32 v23;
	v26 =	vadd.f32 $5.000000000e+00, v12;
	v29 =	vadd.f32 $5.000000000e+00, v7;
	v18 =	vld.idx.msk [tilespmem:v18+s11+$0xA880], $0xffff;
	s11 =	sand.u32 $0x40, s5;
	s13 =	sadd.s32 $0xFFFFFFB0, s20;
	[dreg:$0xe] =	wrdreg s9  }
0x183: {  	v32 =	vadd.f32 $5.000000000e+00, v10;
	v19 =	vtrunc.f32 v19;
	v25 =	vadd.f32 v25, v25;
	s14 =	sadd.s32 $0xFFFFFD80, s29;
	s5 =	sadd.s32 $0xFFFFFFE0, s20;
	[dreg:$0x11] =	wrdreg s11  }
0x184: {  	v23 =	vadd.s32 v5, v23;
	v26 =	vadd.f32 v26, v26;
	v30 =	vld.idx.msk [tilespmem:v20+s4+$0x5480], $0xffff;
	v19 =	vcvt.f32.s32 v19;
	s16 =	sadd.s32 $0xFFFFFE80, s29;
	[dreg:$0x15] =	wrdreg s14;
	s1 =	sand.u32 $0x60, s13  }
0x185: {  	v29 =	vadd.f32 v29, v29;
	v20 =	vld.idx.msk [tilespmem:v20+s4+$0xA880], $0xffff;
	v59 =	vadd.f32 v32, v32;
	v17 =	vmax.f32 v17, $-5.000000000e+00;
	s4 =	sand.u32 $0x50, s5;
	s9 =	sadd.s32 $0xFFFFFFF0, s20;
	[dreg:$0x12] =	wrdreg s1  }
0x186: {  	v16 =	vmax.f32 v16, $-5.000000000e+00;
	v25 =	vtrunc.f32 v25;
	s11 =	sand.u32 $0x70, s20;
	s13 =	sand.u32 $0x1C00, s29;
	v13 =	vmul.f32 v13, v21;
	v21 =	vld.idx.msk [tilespmem:v22+s12+$0xA880], $0xffff;
	[dreg:$0x18] =	wrdreg s4  }
0x187: {  	v26 =	vtrunc.f32 v26;
	v17 =	vmin.f32 v17, $5.000000000e+00;
	v25 =	vcvt.f32.s32 v25;
	s14 =	sadd.s32 $0xFFFFFFC0, s20;
	v22 =	vld.idx.msk [tilespmem:v22+s12+$0x5480], $0xffff;
	[dreg:$0x1d] =	wrdreg s11;
	s12 =	sadd.s32 $0xFFFFFFA0, s20  }
0x188: {  	v29 =	vtrunc.f32 v29;
	v16 =	vmin.f32 v16, $5.000000000e+00;
	v27 =	vadd.f32 $5.000000000e+00, v17;
	s4 =	sand.u32 $0x60, s9;
	[smem:$0x7E8] =	sst s13;
	s13 =	sadd.s32 $0xFFFFFF90, s20  }
0x189: {  	v26 =	vcvt.f32.s32 v26;
	v31 =	vadd.f32 $5.000000000e+00, v16;
	s1 =	sand.u32 $0x40, s15;
	s15 =	sadd.s32 $0xFFFFFF00, s29;
	s9 =	sadd.s32 $0xFFFFFE00, s29;
	v25 =	vadd.s32 v5, v25;
	v33 =	vld.idx.msk [tilespmem:v23+s2+$0xA880], $0xffff  }
0x18a: {  	v19 =	vadd.s32 v5, v19;
	s11 =	sadd.s32 $0xFFFFFD00, s29;
	v23 =	vld.idx.msk [tilespmem:v23+s2+$0x5480], $0xffff;
	[dreg:$0x1e] =	wrdreg s4;
	s2 =	sand.u32 $0x50, s12;
	v27 =	vadd.f32 v27, v27;
	v13 =	vadd.f32 v13, v24  }
0x18b: {  	v14 =	vmul.f32 v14, v18;
	v26 =	vadd.s32 v5, v26;
	[smem:$0x7E7] =	sst s1;
	s4 =	sand.u32 $0x70, s14;
	s12 =	sand.u32 $0x1C00, s16;
	v11 =	vmul.f32 v11, v20  }
0x18c: {  	s16 =	sadd.s32 $0x15, s10;
	s14 =	sadd.s32 $0xFFFFFA80, s29;
	v31 =	vadd.f32 v31, v31;
	[smem:$0x7E9] =	sst s2;
	v27 =	vtrunc.f32 v27;
	[tilespmem:s21+$0x1BC80] =	vst v13;
	v13 =	vcvt.f32.s32 v29  }
0x18d: {  	v14 =	vadd.f32 v14, v28;
	s5 =	sand.u32 $0x40, s13;
	s1 =	sadd.s32 $0xFFFFFC80, s29;
	[smem:$0x7E6] =	sst s4;
	v11 =	vadd.f32 v11, v30;
	v27 =	vcvt.f32.s32 v27  }
0x18e: {  	s13 =	sadd.s32 $0x16, s10;
	s2 =	smov.u32 s19;
	[smem:$0x7E5] =	sst s12;
	v31 =	vtrunc.f32 v31;
	v9 =	vmul.f32 v9, v21;
	v60 =	vld.idx.msk [tilespmem:v25+s3+$0xA880], $0xffff;
	v13 =	vadd.s32 v5, v13  }
0x18f: {  	[smem:$0x7EB] =	sst s14;
	s14 =	sadd.s32 $0x12, s10;
	s12 =	sshll.u32 s16, $0x1;
	[tilespmem:s26+$0x1BC80] =	vst v14;
	v21 =	vcvt.f32.s32 v31;
	v25 =	vld.idx.msk [tilespmem:v25+s3+$0x5480], $0xffff;
	v58 =	vadd.s32 v5, v27;
	v27 =	vtrunc.f32 v59  }
0x190: {  	s4 =	sadd.s32 $0x10, s10;
	s19 =	sand.u32 $0x1C00, s11;
	s26 =	sand.u32 $0x1C00, s9;
	[tilespmem:s23+$0x1BC80] =	vst v11;
	v11 =	vld.idx.msk [tilespmem:v26+s8+$0xA880], $0xffff;
	v18 =	vcvt.f32.s32 v27  }
0x191: {  	s9 =	sand.u32 $0x1C00, s15;
	s15 =	sadd.s32 $0x14, s10;
	s11 =	sshll.u32 s4, $0x4;
	v15 =	vmul.f32 v15, v33;
	v9 =	vadd.f32 v9, v22;
	v20 =	vadd.s32 v5, v21;
	v21 =	vld.idx.msk [tilespmem:v26+s8+$0x5480], $0xffff  }
0x192: {  	[smem:$0x7EA] =	sst s9;
	s9 =	sadd.s32 $0x17, s10;
	s10 =	sadd.s32 $0x11, s10;
	v22 =	vld.idx.msk [tilespmem:v19+s7+$0x5480], $0xffff;
	v18 =	vadd.s32 v5, v18  }
0x193: {  	s21 =	sadd.s32 $0xFFFFFF80, s29;
	s23 =	sshll.u32 s10, $0x1;
	s3 =	smov.u32 s18;
	[tilespmem:s30+$0x1BC80] =	vst v9;
	v9 =	vadd.f32 v15, v23;
	v15 =	vld.idx.msk [tilespmem:v13+s22+$0x5480], $0xffff  }
0x194: {  	s18 =	sand.u32 $0x1C00, s1;
	s1 =	sshll.u32 s13, $0x1;
	s8 =	sand.u32 $0x6000, s11;
	v14 =	vld.idx.msk [tilespmem:v58+s6+$0xA880], $0xffff  }
0x195: {  	s11 =	sand.u32 $0x380, s23;
	s23 =	sand.u32 $0x380, s1;
	v8 =	vmul.f32 v8, v60;
	v61 =	vld.idx.msk [tilespmem:v58+s6+$0x5480], $0xffff;
	s6 =	sshll.u32 s4, $0x1  }
0x196: {  	s1 =	sshll.u32 s0, $0x4;
	s8 =	sor.u32 s18, s8;
	[tilespmem:s31+$0x1BC80] =	vst v9;
	v9 =	vld.idx.msk [tilespmem:v13+s22+$0xA880], $0xffff;
	s6 =	sand.u32 $0x380, s6  }
0x197: {  	s30 =	sshll.u32 s13, $0x4;
	s22 =	sshll.u32 s10, $0x4;
	v8 =	vadd.f32 v8, v25;
	s6 =	sor.u32 s6, s8;
	v13 =	vld.idx.msk [tilespmem:v18+s25+$0x5480], $0xffff  }
0x198: {  	s8 =	sand.u32 $0x1C00, s21;
	v18 =	vld.idx.msk [tilespmem:v18+s25+$0xA880], $0xffff;
	s25 =	rddreg [dreg:$0x6];
	s5 =	sor.u32 s5, s6  }
0x199: {  	[tilespmem:s25+$0x1BC80] =	vst v8;
	s25 =	smov.u32 s24;
	s24 =	sshll.u32 s15, $0x1;
	v14 =	vmul.f32 v17, v14;
	v17 =	vld.idx.msk [tilespmem:v19+s7+$0xA880], $0xffff;
	s7 =	sand.u32 $0x6000, s22  }
0x19a: {  	s18 =	sor.u32 s19, s7;
	s7 =	sand.u32 $0x6000, s1;
	s1 =	sshll.u32 s0, $0x1  }
0x19b: {  	v7 =	vmul.f32 v7, v9;
	s22 =	sshll.u32 s9, $0x4;
	s21 =	sand.u32 $0x380, s1;
	s1 =	rddreg [dreg:$0xb]  }
0x19c: {  	v9 =	vmul.f32 v12, v11;
	v14 =	vadd.f32 v14, v61;
	s7 =	sor.u32 s26, s7;
	s11 =	sor.u32 s11, s18;
	s18 =	rddreg [dreg:$0x1a]  }
0x19d: {  	v19 =	vld.idx.msk [tilespmem:v20+s28+$0xA880], $0xffff;
	s19 =	sand.u32 $0x6000, s30;
	v7 =	vadd.f32 v7, v15;
	s6 =	sor.u32 s21, s7;
	s7 =	sld [smem:$0x7E5]  }
0x19e: {  	v9 =	vadd.f32 v9, v21;
	s21 =	smov.u32 s5;
	s5 =	sld [smem:$0x7E6];
	[tilespmem:s2+$0x1BC80] =	vst v14;
	s2 =	sshll.u32 s15, $0x4  }
0x19f: {  	v8 =	vld.idx.msk [tilespmem:v20+s28+$0x5480], $0xffff;
	s8 =	sor.u32 s8, s19;
	s19 =	sld [smem:$0x7E9];
	[tilespmem:s1+$0x1BC80] =	vst v7;
	s26 =	sand.u32 $0x6000, s2  }
0x1a0: {  	s24 =	sand.u32 $0x380, s24;
	[tilespmem:s3+$0x1BC80] =	vst v9;
	s3 =	sld [smem:$0x7E8];
	s1 =	sor.u32 s7, s26  }
0x1a1: {  	s26 =	sor.u32 s5, s6;
	s6 =	rddreg [dreg:$0x11];
	s7 =	sor.u32 s24, s1  }
0x1a2: {  	v7 =	vmul.f32 v16, v19;
	s24 =	smov.u32 s25;
	s25 =	sand.u32 $0x6000, s22;
	s1 =	sld [smem:$0x7E7]  }
0x1a3: {  	s22 =	sor.u32 s19, s11;
	s11 =	sand.u32 $0x380, s12;
	s12 =	rddreg [dreg:$0x1e]  }
0x1a4: {  	v7 =	vadd.f32 v7, v8;
	[dreg:$0x6] =	wrdreg s22  }
0x1a5: {  	v10 =	vmul.f32 v10, v18;
	s2 =	sor.u32 s3, s25;
	s3 =	rddreg [dreg:$0xc]  }
0x1a6: {  	s30 =	sshll.u32 s9, $0x1;
	[tilespmem:s17+$0x1BC80] =	vst v7;
	v7 =	vld [tilespmem:s22+$0x13C80];
	s22 =	rddreg [dreg:$0x15]  }
0x1a7: {  	v6 =	vmul.f32 v6, v17;
	v9 =	vadd.f32 v10, v13;
	v10 =	vld [tilespmem:s21+$0x13C80];
	s17 =	sshll.u32 s14, $0x4;
	s7 =	sor.u32 s1, s7;
	s1 =	rddreg [dreg:$0x1d]  }
0x1a8: {  	s5 =	sand.u32 $0x380, s30;
	s19 =	sand.u32 $0x6000, s17;
	s17 =	sld [smem:$0x7EC]  }
0x1a9: {  	v6 =	vadd.f32 v6, v22;
	s2 =	sor.u32 s5, s2;
	s5 =	sand.u32 $0x1C00, s22;
	s22 =	rddreg [dreg:$0x10]  }
0x1aa: {  	v8 =	vld [tilespmem:s26+$0x13C80];
	s30 =	smov.u32 s7;
	s7 =	rddreg [dreg:$0x17]  }
0x1ab: {  	s25 =	sor.u32 s23, s8;
	s23 =	sor.u32 s1, s2;
	[tilespmem:s7+$0x1BC80] =	vst v6;
	v6 =	vld [tilespmem:s30+$0x13C80];
	s7 =	sld [smem:$0x7EA]  }
0x1ac: {  	s31 =	sshll.u32 s16, $0x4;
	[tilespmem:s18+$0x1BC80] =	vst v9;
	v9 =	vmax.f32 v10, $-5.000000000e+00;
	s1 =	sor.u32 s12, s25;
	s25 =	rddreg [dreg:$0x18];
	v10 =	vld [tilespmem:s23+$0x13C80]  }
0x1ad: {  	s31 =	sand.u32 $0x6000, s31;
	v13 =	vmin.f32 v9, $5.000000000e+00;
	s12 =	sld [smem:$0x7EB]  }
0x1ae: {  	v12 =	vadd.f32 $5.000000000e+00, v13;
	[dreg:$0xb] =	wrdreg s1;
	s8 =	sor.u32 s7, s31  }
0x1af: {  	s18 =	sshll.u32 s14, $0x1;
	v8 =	vmax.f32 v8, $-5.000000000e+00;
	s7 =	rddreg [dreg:$0xf];
	s2 =	sor.u32 s11, s8  }
0x1b0: {  	v14 =	vmin.f32 v8, $5.000000000e+00;
	v12 =	vadd.f32 v12, v12;
	s8 =	sor.u32 s5, s19;
	s11 =	sand.u32 $0x380, s18;
	s31 =	sor.u32 s25, s2  }
0x1b1: {  	s0 =	sand.u32 $0x3F, s0;
	s19 =	rddreg [dreg:$0x12];
	v6 =	vmax.f32 v6, $-5.000000000e+00;
	s2 =	sor.u32 s11, s8;
	v8 =	vmax.f32 v10, $-5.000000000e+00;
	v10 =	vadd.f32 $5.000000000e+00, v14;
	v11 =	vld [tilespmem:s31+$0x13C80]  }
0x1b2: {  	s5 =	sand.u32 $0x1C00, s12;
	s12 =	sand.u32 $0x3C, s15;
	v12 =	vtrunc.f32 v12;
	v9 =	vmin.f32 v6, $5.000000000e+00;
	v6 =	vld [tilespmem:s1+$0x13C80];
	s1 =	sor.u32 s19, s2  }
0x1b3: {  	s15 =	sand.u32 $0x3D, s10;
	s10 =	sand.u32 $0x3E, s14;
	s18 =	sor.u32 s5, s17;
	v12 =	vcvt.f32.s32 v12;
	v19 =	vld [tilespmem:s1+$0x13C80];
	v10 =	vadd.f32 v10, v10  }
0x1b4: {  	s14 =	rddreg [dreg:$0x9];
	s11 =	smul.u32 $0x150, s0;
	s25 =	sor.u32 s22, s18;
	v18 =	vadd.f32 $5.000000000e+00, v9  }
0x1b5: {  	v7 =	vmax.f32 v7, $-5.000000000e+00;
	s0 =	sand.u32 $0x3F, s9;
	s9 =	rddreg [dreg:$0xe];
	s8 =	sor.u32 s7, s25;
	v21 =	vadd.s32 v5, v12;
	v10 =	vtrunc.f32 v10  }
0x1b6: {  	s5 =	sand.u32 $0x50, s3;
	s22 =	rddreg [dreg:$0x7];
	s18 =	sor.u32 s9, s25;
	v23 =	vld [tilespmem:s8+$0x13C80];
	v63 =	vadd.f32 v18, v18;
	v15 =	vmax.f32 v11, $-5.000000000e+00;
	v11 =	vmin.f32 v8, $5.000000000e+00  }
0x1b7: {  	s19 =	sor.u32 s6, s25;
	s17 =	sor.u32 s5, s25;
	s25 =	smul.u32 $0x150, s14;
	v22 =	vld [tilespmem:s18+$0x13C80];
	v8 =	vmin.f32 v7, $5.000000000e+00;
	v6 =	vmax.f32 v6, $-5.000000000e+00;
	v20 =	vadd.f32 $5.000000000e+00, v11  }
0x1b8: {  	s6 =	smul.u32 $0x150, s22;
	v15 =	vmin.f32 v15, $5.000000000e+00;
	v7 =	vmin.f32 v6, $5.000000000e+00;
	v6 =	vmax.f32 v19, $-5.000000000e+00  }
0x1b9: {  	s20 =	sadd.s32 $0xC0, s20;
	s4 =	sand.u32 $0x3C, s4;
	s7 =	smul.u32 $0x150, s10;
	v62 =	vadd.f32 $5.000000000e+00, v15;
	v6 =	vmin.f32 v6, $5.000000000e+00;
	v20 =	vadd.f32 v20, v20  }
.Ltmp8:
0x1ba: {  	s3 =	simm.s32 $0xA340;
	[dreg:$0x17] =	wrdreg s1;
	v10 =	vcvt.f32.s32 v10;
	v25 =	vtrunc.f32 v63;
	v12 =	vadd.f32 $5.000000000e+00, v6;
	(pc) =	sbr.rel @p0 .LBB2_13-.Ltmp8, $4  }
0x1bb: {  	s5 =	sand.u32 $0x3E, s13;
	s13 =	rddreg [dreg:$0xa];
	s1 =	smul.u32 $0x150, s4;
	v23 =	vmax.f32 v23, $-5.000000000e+00;
	v24 =	vadd.f32 v62, v62;
	v18 =	vtrunc.f32 v20  }
0x1bc: {  	s2 =	sand.u32 $0x3D, s16;
	s16 =	rddreg [dreg:$0x8];
	s28 =	smul.u32 $0x150, s13;
	v20 =	vmax.f32 v22, $-5.000000000e+00;
	v19 =	vadd.f32 v12, v12;
	v22 =	vcvt.f32.s32 v18  }
0x1bd: {  	s10 =	simm.s32 $0x1FE00;
	v17 =	vld [tilespmem:s19+$0x13C80];
	[dreg:$0x1a] =	wrdreg s8;
	s8 =	smul.u32 $0x150, s16;
	v18 =	vadd.s32 v5, v10;
	v12 =	vmin.f32 v20, $5.000000000e+00;
	v10 =	vmin.f32 v23, $5.000000000e+00  }
0x1be: {  	s9 =	simm.s32 $0xF740;
	s4 =	simm.s32 $0x3FC;
	v16 =	vld [tilespmem:s17+$0x13C80];
	s22 =	smul.u32 $0x150, s5;
	v23 =	vtrunc.f32 v24;
	v20 =	vadd.s32 v5, v22;
	v22 =	vcvt.f32.s32 v25  }
0x1bf: {  	_ =	sdelay $0x2  }
0x1c0: {  	v24 =	vadd.f32 $5.000000000e+00, v8;
	v17 =	vmax.f32 v17, $-5.000000000e+00  }
0x1c1: {  	v23 =	vcvt.f32.s32 v23;
	v25 =	vld.idx.msk [tilespmem:v21+s1+$0x5480], $0xffff;
	v19 =	vtrunc.f32 v19;
	v17 =	vmin.f32 v17, $5.000000000e+00  }
0x1c2: {  	v41 =	vld.idx.msk [tilespmem:v21+s1+$0xA880], $0xffff;
	v22 =	vadd.s32 v5, v22;
	v24 =	vadd.f32 v24, v24;
	v26 =	vadd.f32 $5.000000000e+00, v17  }
0x1c3: {  	s0 =	smul.u32 $0x150, s0;
	v27 =	vadd.f32 $5.000000000e+00, v12;
	v28 =	vld.idx.msk [tilespmem:v18+s11+$0x5480], $0xffff;
	v29 =	vadd.f32 $5.000000000e+00, v7;
	v19 =	vcvt.f32.s32 v19  }
0x1c4: {  	v43 =	vld.idx.msk [tilespmem:v18+s11+$0xA880], $0xffff;
	v23 =	vadd.s32 v5, v23;
	v24 =	vtrunc.f32 v24;
	v26 =	vadd.f32 v26, v26  }
0x1c5: {  	s20 =	smul.u32 $0x150, s12;
	v33 =	vadd.f32 $5.000000000e+00, v10;
	v27 =	vadd.f32 v27, v27;
	v30 =	vld.idx.msk [tilespmem:v20+s0+$0x5480], $0xffff;
	v24 =	vcvt.f32.s32 v24  }
0x1c6: {  	v29 =	vadd.f32 v29, v29;
	v42 =	vld.idx.msk [tilespmem:v20+s0+$0xA880], $0xffff;
	v19 =	vadd.s32 v5, v19;
	v26 =	vtrunc.f32 v26  }
0x1c7: {  	s24 =	smul.u32 $0x150, s2;
	v33 =	vadd.f32 v33, v33;
	v31 =	vld.idx.msk [tilespmem:v22+s20+$0xA880], $0xffff;
	v24 =	vadd.s32 v5, v24;
	v26 =	vcvt.f32.s32 v26  }
0x1c8: {  	v27 =	vtrunc.f32 v27;
	v16 =	vmax.f32 v16, $-5.000000000e+00;
	v29 =	vtrunc.f32 v29;
	v22 =	vld.idx.msk [tilespmem:v22+s20+$0x5480], $0xffff  }
0x1c9: {  	v27 =	vcvt.f32.s32 v27;
	v16 =	vmin.f32 v16, $5.000000000e+00;
	v32 =	vld.idx.msk [tilespmem:v23+s24+$0xA880], $0xffff;
	v26 =	vadd.s32 v5, v26  }
0x1ca: {  	s29 =	smul.u32 $0x150, s15;
	v29 =	vcvt.f32.s32 v29;
	v34 =	vadd.f32 $5.000000000e+00, v16;
	v23 =	vld.idx.msk [tilespmem:v23+s24+$0x5480], $0xffff  }
0x1cb: {  	v33 =	vtrunc.f32 v33;
	v27 =	vadd.s32 v5, v27;
	v51 =	vld.idx.msk [tilespmem:v19+s7+$0xA880], $0xffff  }
0x1cc: {  	v13 =	vmul.f32 v13, v41;
	v29 =	vadd.s32 v5, v29;
	v34 =	vadd.f32 v34, v34;
	v35 =	vld.idx.msk [tilespmem:v24+s29+$0xA880], $0xffff  }
0x1cd: {  	v33 =	vcvt.f32.s32 v33;
	v24 =	vld.idx.msk [tilespmem:v24+s29+$0x5480], $0xffff  }
0x1ce: {  	v14 =	vmul.f32 v14, v43;
	v13 =	vadd.f32 v13, v25;
	v34 =	vtrunc.f32 v34;
	v36 =	vld.idx.msk [tilespmem:v26+s6+$0x5480], $0xffff  }
0x1cf: {  	v44 =	vadd.s32 v5, v33;
	v11 =	vmul.f32 v11, v42;
	v34 =	vcvt.f32.s32 v34;
	v26 =	vld.idx.msk [tilespmem:v26+s6+$0xA880], $0xffff  }
0x1d0: {  	v14 =	vadd.f32 v14, v28;
	[tilespmem:s21+$0x1BC80] =	vst v13;
	v9 =	vmul.f32 v9, v31;
	v49 =	vld.idx.msk [tilespmem:v27+s8+$0xA880], $0xffff  }
0x1d1: {  	v11 =	vadd.f32 v11, v30;
	v48 =	vld.idx.msk [tilespmem:v29+s22+$0xA880], $0xffff;
	v50 =	vmul.f32 v15, v32;
	v46 =	vadd.s32 v5, v34  }
0x1d2: {  	[tilespmem:s26+$0x1BC80] =	vst v14;
	v37 =	vld.idx.msk [tilespmem:v27+s8+$0x5480], $0xffff;
	v9 =	vadd.f32 v9, v22  }
0x1d3: {  	[tilespmem:s23+$0x1BC80] =	vst v11;
	v45 =	vld.idx.msk [tilespmem:v29+s22+$0x5480], $0xffff;
	v54 =	vadd.f32 v50, v23;
	v52 =	vmul.f32 v8, v35  }
0x1d4: {  	v47 =	vld.idx.msk [tilespmem:v19+s7+$0x5480], $0xffff;
	[tilespmem:s30+$0x1BC80] =	vst v9;
	v55 =	vmul.f32 v17, v26  }
0x1d5: {  	v53 =	vld.idx.msk [tilespmem:v44+s25+$0xA880], $0xffff;
	[tilespmem:s31+$0x1BC80] =	vst v54;
	v60 =	vmul.f32 v12, v49;
	v8 =	vadd.f32 v52, v24  }
0x1d6: {  	v7 =	vmul.f32 v7, v48;
	s31 =	rddreg [dreg:$0x6];
	v56 =	vld.idx.msk [tilespmem:v46+s28+$0xA880], $0xffff;
	v58 =	vadd.f32 v55, v36  }
0x1d7: {  	v57 =	vld.idx.msk [tilespmem:v44+s25+$0x5480], $0xffff;
	v61 =	vadd.f32 v60, v37;
	[tilespmem:s31+$0x1BC80] =	vst v8  }
0x1d8: {  	v6 =	vmul.f32 v6, v51;
	v59 =	vld.idx.msk [tilespmem:v46+s28+$0x5480], $0xffff;
	v7 =	vadd.f32 v7, v45;
	[tilespmem:s19+$0x1BC80] =	vst v58  }
0x1d9: {  	s0 =	rddreg [dreg:$0xb];
	[tilespmem:s18+$0x1BC80] =	vst v61  }
0x1da: {  	v6 =	vadd.f32 v6, v47;
	v62 =	vmul.f32 v10, v53;
	[tilespmem:s0+$0x1BC80] =	vst v7  }
0x1db: {  	v7 =	vmul.f32 v16, v56;
	s0 =	rddreg [dreg:$0x17]  }
0x1dc: {  	v63 =	vadd.f32 v62, v57;
	[tilespmem:s0+$0x1BC80] =	vst v6  }
0x1dd: {  	v7 =	vadd.f32 v7, v59;
	s0 =	rddreg [dreg:$0x1a]  }
0x1de: {  	[tilespmem:s0+$0x1BC80] =	vst v63  }
0x1df: {  	s5 =	simm.s32 $0x4040;
	s6 =	simm.s32 $0x0;
	[tilespmem:s17+$0x1BC80] =	vst v7  }
.LBB2_15:
0x1e0: {  	s0 =	sshll.u32 s4, $0x4  }
0x1e1: {  	s0 =	sand.u32 $0xFFFFE000, s0  }
0x1e2: {  	s1 =	sand.u32 $0x1C00, s10;
	s2 =	sshll.u32 s4, $0x1;
	s0 =	sadd.s32 s0, s5  }
0x1e3: {  	s31 =	sand.u32 $0x380, s2;
	s0 =	sadd.s32 s1, s0  }
0x1e4: {  	s0 =	sadd.s32 s31, s0  }
0x1e5: {  	v6 =	vld [tilespmem:s0+$0xFC80];
	_ =	sdelay $0x4  }
0x1e6: {  	v6 =	vmax.f32 v6, $-5.000000000e+00  }
0x1e7: {  	v6 =	vmin.f32 v6, $5.000000000e+00  }
0x1e8: {  	v7 =	vadd.f32 $5.000000000e+00, v6;
	_ =	sdelay $0x1  }
0x1e9: {  	v7 =	vadd.f32 v7, v7;
	_ =	sdelay $0x1  }
0x1ea: {  	v7 =	vtrunc.f32 v7  }
0x1eb: {  	v7 =	vcvt.f32.s32 v7;
	_ =	sdelay $0x1  }
0x1ec: {  	v7 =	vadd.s32 v5, v7;
	_ =	sdelay $0x4  }
0x1ed: {  	v8 =	vld.idx.msk [tilespmem:v7+s9+$0x0], $0xffff;
	_ =	sdelay $0x1  }
0x1ee: {  	v7 =	vld.idx.msk [tilespmem:v7+s3+$0x0], $0xffff;
	_ =	sdelay $0x1  }
0x1ef: {  	p0 =	sne.s32 s10, $0x1FF80  }
.Ltmp9:
0x1f0: {  	v6 =	vmul.f32 v6, v8;
	(pc) =	sbr.rel @p0 .LBB2_15-.Ltmp9, $4  }
0x1f1: {  	_ = 	snop  }
0x1f2: {  	v6 =	vadd.f32 v6, v7  }
0x1f3: {  	s4 =	sadd.s32 $0x1, s4;
	s10 =	sadd.s32 $0x80, s10  }
0x1f4: {  	s5 =	sadd.s32 $0x10, s5;
	s9 =	sadd.s32 $0x150, s9;
	s3 =	sadd.s32 $0x150, s3;
	[tilespmem:s0+$0x17C80] =	vst v6  }
0x1f5: {  	s25 =	sld [smem:$0x7F3];
	_ =	sdelay $0x2  }
0x1f6: {  	s0 =	sld [smem:$0x7FD];
	p0 =	seq.s32 s25, $0x7  }
.Ltmp10:
0x1f7: {  	s2 =	sld [smem:$0x7F4];
	(pc) =	sbr.rel @p0 .LBB2_18-.Ltmp10, $3  }
0x1f8: {  	_ =	sdelay $0x1  }
0x1f9: {  	s1 =	simm.s32 $0x1BC80;
	s0 =	sadd.s32 s0, s2  }
0x1fa: {  	[hbm4b:s0+s6] =	stream.linear.scatter [tilespmem:s1], [sflag:$0x4], $0x4000, $0x38;
	[tilespmem:$0x1FC80] =	vst v63  }
.Ltmp11:
0x1fb: {  	s0 =	sld [smem:$0x7FA];
	(pc) =	sbr.rel .LBB2_4-.Ltmp11, $3  }
0x1fc: {  	_ =	sdelay $0x1  }
0x1fd: {  	s1 =	simm.s32 $0x13C80;
	s25 =	sadd.s32 $0x1, s25;
	s0 =	sadd.s32 s2, s0  }
0x1fe: {  	[tilespmem:s1], [sflag:$0x2] =	stream.linear.gather [hbm4b:s0+s6], $0x4000, $0x38;
	[tilespmem:$0x1FC80] =	vst v63  }
.LBB2_19:
0x1ff: {  	_ =	sfence.sel $0x180000  }
0x200: {  	[bflag:$0x0] =	sbarrier.arrive $0xFFFF  }
0x201: {  	_ =	strace $0x90000047  }
0x202: {  	s0 =	stileid.u32;
	[bflag:$0x2] =	sbarrier.arrive $0xFFFF  }
0x203: {  	p0 =	sne.s32 s0, $0x0;
	s0 =	rddreg [dreg:$0x3]  }
0x204: {  	s0 =	sadd.s32 @!p0 $0x100000, s0  }
0x205: {  	[sflag:s0] =	ssyncadd.tile.s32 @!p0 $0x1;
	_ =	shalt  }
.Lfunc_end2:
_tile_overlayer_lowered:
.L_overlay_start_2:
0x206: {  	(tag) =	ssettag $0x2  }
0x207: {  	s0 =	rddreg [dreg:$0x0];
	s2 =	stileid.u32  }
0x208: {  	s1 =	rddreg [dreg:$0x1];
	p0 =	sne.s32 s2, $0x0  }
0x209: {  	s3 =	rddreg [dreg:$0x2];
	[bflag:$0x3] =	sbarrier.arrive $0xFFFF;
	s2 =	simm.s32 @!p0 $0x1C06  }
0x20a: {  	[timem:s3], [sflag:s2] =	dma.local @!p0 [hbm:s0], s1  }
0x20b: {  	s0 =	simm.s32 @!p0 $0x6  }
0x20c: {  	_ =	swait.ge @!p0 [sflag:s0], s1  }
0x20d: {  	s1 =	ssub.s32 @!p0 $0x0, s1;
	[sflag:s0] =	ssyncset.done @!p0 $0x0  }
0x20e: {  	[sflag:s0] =	ssyncadd.s32 @!p0 s1  }
0x20f: {  	[bflag:$0x3] =	sbarrier.arrive $0xFFFF  }
0x210: {  	_ =	shalt  }

</sc_bundles>
